<compile_context>
chip_gen: v7x
topology: tpu7x:2x2x1
jax: 0.10.2.dev20260603
libtpu: 0.0.44.dev20260713+nightly
codegen_flags: <defaults>
</compile_context>

<pallas_src>
import functools

import jax
import jax.numpy as jnp
from jax import lax
from jax.experimental import pallas as pl
from jax.experimental.pallas import tpu as pltpu
from jax.experimental.pallas import tpu_sc as plsc

NC = 2
NS = 16
L = 16
NW = NC * NS
B = 128
NUM_LAYERS = 3


def _round_up(v, m):
    return (v + m - 1) // m * m


def _mesh():
    return plsc.VectorSubcoreMesh(
        core_axis_name="c", subcore_axis_name="s",
        num_cores=NC, num_subcores=NS)


@functools.lru_cache(maxsize=None)
def _make_layer_kernel(n, d, kbp):
    na = _round_up(n + 1, NS * B)
    rpt = na // NS

    @functools.partial(
        pl.kernel,
        out_type=jax.ShapeDtypeStruct((NC, n, d), jnp.float32),
        mesh=_mesh(),
        scratch_types=[
            pltpu.VMEM((kbp, B), jnp.int32),
            pltpu.VMEM((kbp, B), jnp.int32),
            pltpu.VMEM((B, d), jnp.float32),
            pltpu.VMEM_SHARED((na, d), jnp.float32),
        ],
    )
    def layerk(src_hbm, dst_hbm, h_hbm, out_hbm,
               sidx, didx, rows, accum):
        c = lax.axis_index("c")
        s = lax.axis_index("s")
        w = c * NS + s
        pltpu.sync_copy(src_hbm.at[w], sidx)
        pltpu.sync_copy(dst_hbm.at[w], didx)

        nvec = d // L

        @pl.loop(0, B * nvec)
        def _(i):
            r = i // nvec
            cc = i % nvec
            rows[r, pl.ds(cc * L, L)] = jnp.zeros((L,), jnp.float32)

        base = s * rpt
        for k in range(rpt // B):
            pltpu.sync_copy(rows, accum.at[pl.ds(base + k * B, B)])
        plsc.subcore_barrier()

        @pl.loop(0, kbp)
        def _(j):
            pltpu.sync_copy(h_hbm.at[sidx.at[j]], rows)
            pltpu.sync_copy(rows, accum.at[didx.at[j]], add=True)
        plsc.subcore_barrier()

        nfull = n // rpt
        rem = n - nfull * rpt

        @pl.when(s < nfull)
        def _():
            pltpu.sync_copy(accum.at[pl.ds(base, rpt)],
                            out_hbm.at[c, pl.ds(base, rpt)])
        if rem:
            @pl.when(s == nfull)
            def _():
                pltpu.sync_copy(accum.at[pl.ds(nfull * rpt, rem)],
                                out_hbm.at[c, pl.ds(nfull * rpt, rem)])

    return layerk


@functools.lru_cache(maxsize=None)
def _make_count_kernel(n, kbp):
    nr = -(-(n + 1) // B)

    @functools.partial(
        pl.kernel,
        out_type=jax.ShapeDtypeStruct((NW, nr, B), jnp.float32),
        mesh=_mesh(),
        compiler_params=pltpu.CompilerParams(needs_layout_passes=False),
        scratch_types=[
            pltpu.VMEM((kbp, B), jnp.int32),
            pltpu.VMEM((nr, B), jnp.float32),
        ],
    )
    def countk(dst_hbm, out_hbm, didx, cnt):
        c = lax.axis_index("c")
        s = lax.axis_index("s")
        w = c * NS + s
        pltpu.sync_copy(dst_hbm.at[w], didx)

        @pl.loop(0, nr * (B // L))
        def _(i):
            r = i // (B // L)
            cc = i % (B // L)
            cnt[r, pl.ds(cc * L, L)] = jnp.zeros((L,), jnp.float32)

        @pl.loop(0, kbp * (B // L))
        def _(t):
            j = t // (B // L)
            k = t % (B // L)
            dv = didx[j, pl.ds(k * L, L)]
            plsc.addupdate_scatter(
                cnt, [dv >> 7, dv & 127], jnp.full((L,), 1.0, jnp.float32))

        pltpu.sync_copy(cnt, out_hbm.at[w])

    return countk


def _combine(partials, counts, n, d):
    rb = 1000
    assert n % rb == 0

    def body(p_ref, c_ref, o_ref):
        ssum = p_ref[0] + p_ref[1]
        o_ref[...] = ssum * (1.0 / jnp.maximum(c_ref[...], 1.0))

    return pl.pallas_call(
        body,
        grid=(n // rb,),
        in_specs=[
            pl.BlockSpec((NC, rb, d), lambda i: (0, i, 0)),
            pl.BlockSpec((rb, 1), lambda i: (i, 0)),
        ],
        out_specs=pl.BlockSpec((rb, d), lambda i: (i, 0)),
        out_shape=jax.ShapeDtypeStruct((n, d), jnp.float32),
    )(partials, counts)


def _reduce_counts(counts):
    nw, nf = counts.shape

    def body(c_ref, o_ref):
        o_ref[...] = jnp.sum(c_ref[...], axis=0)[:, None]

    return pl.pallas_call(
        body,
        in_specs=[pl.BlockSpec((nw, nf), lambda: (0, 0))],
        out_specs=pl.BlockSpec((nf, 1), lambda: (0, 0)),
        out_shape=jax.ShapeDtypeStruct((nf, 1), jnp.float32),
    )(counts)


def kernel(x, edge_index):
    n, d = x.shape
    e = edge_index.shape[1]
    src = edge_index[0]
    dst = edge_index[1]

    ew = e // NW
    assert ew * NW == e
    kbp = -(-ew // B)
    padn = kbp * B - ew
    src_p = jnp.pad(src.reshape(NW, ew), ((0, 0), (0, padn))
                    ).reshape(NW, kbp, B)
    dst_p = jnp.pad(dst.reshape(NW, ew), ((0, 0), (0, padn)),
                    constant_values=n).reshape(NW, kbp, B)

    layerk = _make_layer_kernel(n, d, kbp)
    counts = _make_count_kernel(n, kbp)(dst_p)
    counts = _reduce_counts(counts.reshape(NW, -1))[:n]
    h = x
    for _ in range(NUM_LAYERS):
        partials = layerk(src_p, dst_p, h)
        h = _combine(partials, counts, n, d)
    return h

# --- scband reference (transcript-rebuilt; emitter-appended) ---
"""Pipeline reference for scband-light-gcnstack-627065225712 (READ-ONLY COPY).

The authoritative reference and input builder live on the scoring server;
editing this copy changes nothing except your own understanding.
"""

import jax, jax.numpy as jnp
import numpy as np

N = 10000
D = 128
E = 320000
NUM_LAYERS = 3


def setup_inputs(seed: int = 0) -> dict:
    key = jax.random.key(seed)
    k1, k2 = jax.random.split(key)
    x = jax.random.normal(k1, (N, D), dtype=jnp.float32)
    edge_index = jax.random.randint(k2, (2, E), 0, N, dtype=jnp.int32)
    return {"x": x, "edge_index": edge_index}


def _lightgcn_layer(x, src, dst):
    # message: x_j = x[src]
    msgs = jnp.take(x, src, axis=0)
    # aggregate: scatter-mean over dst index with dim_size=N
    summed = jax.ops.segment_sum(msgs, dst, num_segments=N)
    counts = jax.ops.segment_sum(jnp.ones((src.shape[0],), dtype=x.dtype), dst, num_segments=N)
    counts = jnp.clip(counts, 1.0)
    return summed / counts[:, None]


def reference(x, edge_index):
    src = edge_index[0]
    dst = edge_index[1]
    h = x
    for _ in range(NUM_LAYERS):
        h = _lightgcn_layer(h, src, dst)
    return h

if __name__ == "__main__":
    import jax
    _d = setup_inputs()
    print(jax.jit(kernel)(*tuple(_d.values())))

</pallas_src>

<mosaic_0001>
#map = affine_map<(d0, d1) -> (0, 0, 0)>
#map1 = affine_map<(d0, d1) -> (0, 0)>
module attributes {stable_mosaic.version = 14 : i64} {
  func.func @layerk(%arg0: i32, %arg1: i32, %arg2: memref<32x79x128xi32, #tpu.memory_space<hbm>>, %arg3: memref<32x79x128xi32, #tpu.memory_space<hbm>>, %arg4: memref<10000x128xf32, #tpu.memory_space<hbm>>, %arg5: memref<2x10000x128xf32, #tpu.memory_space<hbm>>, %arg6: memref<79x128xi32, #tpu.memory_space<vmem>>, %arg7: memref<79x128xi32, #tpu.memory_space<vmem>>, %arg8: memref<128x128xf32, #tpu.memory_space<vmem>>, %arg9: memref<10240x128xf32, #tpu.memory_space<vmem_shared>>) attributes {dimension_semantics = [#tpu.dimension_semantics<core_parallel>, #tpu.dimension_semantics<subcore_parallel>], iteration_bounds = array<i64: 2, 16>, scalar_prefetch = 0 : i64, scratch_operands = 4 : i64, tpu.core_type = #tpu.core_type<sc_vector_subcore>, window_params = [{transform_indices = #map}, {transform_indices = #map}, {transform_indices = #map1}, {transform_indices = #map}]} {
    %mul3A = arith.constant 16 : i32
    %mul3A_0 = arith.muli %arg0, %mul3A : i32
    %add3A = arith.addi %mul3A_0, %arg1 : i32
    "tpu.region"() ({
      %run_scoped3A = tpu.sem_alloc : memref<!tpu.dma_semaphore, #tpu.memory_space<semaphore_mem>>
      %dma_start3A = arith.constant 0 : i32
      %dma_start3A_29 = arith.constant 0 : i32
      %dma_start3A_30 = tpu.memref_slice %arg2[%add3A, %dma_start3A, %dma_start3A_29] : memref<32x79x128xi32, #tpu.memory_space<hbm>> -> memref<1x79x128xi32, #tpu.memory_space<hbm>>
      %dma_start3A_31 = tpu.memref_squeeze %dma_start3A_30 : memref<1x79x128xi32, #tpu.memory_space<hbm>> -> memref<79x128xi32, #tpu.memory_space<hbm>>
      %dma_start3A_32 = arith.constant 0 : i32
      %dma_start3A_33 = arith.constant 0 : i32
      %dma_start3A_34 = tpu.memref_slice %arg2[%add3A, %dma_start3A_32, %dma_start3A_33] : memref<32x79x128xi32, #tpu.memory_space<hbm>> -> memref<1x79x128xi32, #tpu.memory_space<hbm>>
      %dma_start3A_35 = tpu.memref_squeeze %dma_start3A_34 : memref<1x79x128xi32, #tpu.memory_space<hbm>> -> memref<79x128xi32, #tpu.memory_space<hbm>>
      tpu.enqueue_dma source(%dma_start3A_35 : memref<79x128xi32, #tpu.memory_space<hbm>>) target(%arg6 : memref<79x128xi32, #tpu.memory_space<vmem>>) target_semaphore(%run_scoped3A : memref<!tpu.dma_semaphore, #tpu.memory_space<semaphore_mem>>)
      %dma_wait3A = arith.constant 0 : i32
      %dma_wait3A_36 = arith.constant 0 : i32
      %dma_wait3A_37 = tpu.memref_slice %arg2[%add3A, %dma_wait3A, %dma_wait3A_36] : memref<32x79x128xi32, #tpu.memory_space<hbm>> -> memref<1x79x128xi32, #tpu.memory_space<hbm>>
      %dma_wait3A_38 = tpu.memref_squeeze %dma_wait3A_37 : memref<1x79x128xi32, #tpu.memory_space<hbm>> -> memref<79x128xi32, #tpu.memory_space<hbm>>
      %dma_wait3A_39 = arith.constant 0 : i32
      %dma_wait3A_40 = arith.constant 0 : i32
      %dma_wait3A_41 = tpu.memref_slice %arg2[%add3A, %dma_wait3A_39, %dma_wait3A_40] : memref<32x79x128xi32, #tpu.memory_space<hbm>> -> memref<1x79x128xi32, #tpu.memory_space<hbm>>
      %dma_wait3A_42 = tpu.memref_squeeze %dma_wait3A_41 : memref<1x79x128xi32, #tpu.memory_space<hbm>> -> memref<79x128xi32, #tpu.memory_space<hbm>>
      tpu.wait_dma2 semaphore(%run_scoped3A : memref<!tpu.dma_semaphore, #tpu.memory_space<semaphore_mem>>) src(%dma_wait3A_42 : memref<79x128xi32, #tpu.memory_space<hbm>>) dst(%arg6 : memref<79x128xi32, #tpu.memory_space<vmem>>)
      tpu.yield
    }) : () -> ()
    "tpu.region"() ({
      %run_scoped3A = tpu.sem_alloc : memref<!tpu.dma_semaphore, #tpu.memory_space<semaphore_mem>>
      %dma_start3A = arith.constant 0 : i32
      %dma_start3A_29 = arith.constant 0 : i32
      %dma_start3A_30 = tpu.memref_slice %arg3[%add3A, %dma_start3A, %dma_start3A_29] : memref<32x79x128xi32, #tpu.memory_space<hbm>> -> memref<1x79x128xi32, #tpu.memory_space<hbm>>
      %dma_start3A_31 = tpu.memref_squeeze %dma_start3A_30 : memref<1x79x128xi32, #tpu.memory_space<hbm>> -> memref<79x128xi32, #tpu.memory_space<hbm>>
      %dma_start3A_32 = arith.constant 0 : i32
      %dma_start3A_33 = arith.constant 0 : i32
      %dma_start3A_34 = tpu.memref_slice %arg3[%add3A, %dma_start3A_32, %dma_start3A_33] : memref<32x79x128xi32, #tpu.memory_space<hbm>> -> memref<1x79x128xi32, #tpu.memory_space<hbm>>
      %dma_start3A_35 = tpu.memref_squeeze %dma_start3A_34 : memref<1x79x128xi32, #tpu.memory_space<hbm>> -> memref<79x128xi32, #tpu.memory_space<hbm>>
      tpu.enqueue_dma source(%dma_start3A_35 : memref<79x128xi32, #tpu.memory_space<hbm>>) target(%arg7 : memref<79x128xi32, #tpu.memory_space<vmem>>) target_semaphore(%run_scoped3A : memref<!tpu.dma_semaphore, #tpu.memory_space<semaphore_mem>>)
      %dma_wait3A = arith.constant 0 : i32
      %dma_wait3A_36 = arith.constant 0 : i32
      %dma_wait3A_37 = tpu.memref_slice %arg3[%add3A, %dma_wait3A, %dma_wait3A_36] : memref<32x79x128xi32, #tpu.memory_space<hbm>> -> memref<1x79x128xi32, #tpu.memory_space<hbm>>
      %dma_wait3A_38 = tpu.memref_squeeze %dma_wait3A_37 : memref<1x79x128xi32, #tpu.memory_space<hbm>> -> memref<79x128xi32, #tpu.memory_space<hbm>>
      %dma_wait3A_39 = arith.constant 0 : i32
      %dma_wait3A_40 = arith.constant 0 : i32
      %dma_wait3A_41 = tpu.memref_slice %arg3[%add3A, %dma_wait3A_39, %dma_wait3A_40] : memref<32x79x128xi32, #tpu.memory_space<hbm>> -> memref<1x79x128xi32, #tpu.memory_space<hbm>>
      %dma_wait3A_42 = tpu.memref_squeeze %dma_wait3A_41 : memref<1x79x128xi32, #tpu.memory_space<hbm>> -> memref<79x128xi32, #tpu.memory_space<hbm>>
      tpu.wait_dma2 semaphore(%run_scoped3A : memref<!tpu.dma_semaphore, #tpu.memory_space<semaphore_mem>>) src(%dma_wait3A_42 : memref<79x128xi32, #tpu.memory_space<hbm>>) dst(%arg7 : memref<79x128xi32, #tpu.memory_space<vmem>>)
      tpu.yield
    }) : () -> ()
    %scan3A = arith.constant 0 : i32
    %scan3A_1 = arith.constant 1024 : i32
    %scan3A_2 = arith.addi %scan3A, %scan3A_1 : i32
    %scan3A_3 = arith.constant 1 : i32
    scf.for %scan3A_29 = %scan3A to %scan3A_2 step %scan3A_3  : i32 {
      %mul3A_30 = arith.constant 1 : i32
      %mul3A_31 = arith.muli %scan3A_29, %mul3A_30 : i32
      %add3A_32 = arith.constant 0 : i32
      %add3A_33 = arith.addi %add3A_32, %mul3A_31 : i32
      %jit3A = arith.constant 8 : i32
      %div3A = arith.divsi %add3A_33, %jit3A : i32
      %sign3A = arith.constant 0 : i32
      %sign3A_34 = arith.cmpi sgt, %add3A_33, %sign3A : i32
      %sign3A_35 = arith.extui %sign3A_34 : i1 to i32
      %sign3A_36 = arith.constant 0 : i32
      %sign3A_37 = arith.cmpi slt, %add3A_33, %sign3A_36 : i32
      %sign3A_38 = arith.extui %sign3A_37 : i1 to i32
      %sign3A_39 = arith.subi %sign3A_35, %sign3A_38 : i32
      %sign3A_40 = arith.constant 0 : i32
      %sign3A_41 = arith.cmpi sgt, %jit3A, %sign3A_40 : i32
      %sign3A_42 = arith.extui %sign3A_41 : i1 to i32
      %sign3A_43 = arith.constant 0 : i32
      %sign3A_44 = arith.cmpi slt, %jit3A, %sign3A_43 : i32
      %sign3A_45 = arith.extui %sign3A_44 : i1 to i32
      %sign3A_46 = arith.subi %sign3A_42, %sign3A_45 : i32
      %ne3A = arith.cmpi ne, %sign3A_39, %sign3A_46 : i32
      %rem3A = arith.remsi %add3A_33, %jit3A : i32
      %ne3A_47 = arith.constant 0 : i32
      %ne3A_48 = arith.cmpi ne, %rem3A, %ne3A_47 : i32
      %and3A = arith.andi %ne3A, %ne3A_48 : i1
      %sub3A = arith.constant 1 : i32
      %sub3A_49 = arith.subi %div3A, %sub3A : i32
      %select_n3A = arith.select %and3A, %sub3A_49, %div3A : i32
      %jit3A_50 = arith.constant 8 : i32
      %eq3A_51 = arith.constant 0 : i32
      %eq3A_52 = arith.cmpi eq, %jit3A_50, %eq3A_51 : i32
      %jit3A_53 = arith.constant 1 : i32
      %select_n3A_54 = arith.select %eq3A_52, %jit3A_53, %jit3A_50 : i32
      %rem3A_55 = arith.remsi %add3A_33, %select_n3A_54 : i32
      %ne3A_56 = arith.constant 0 : i32
      %ne3A_57 = arith.cmpi ne, %rem3A_55, %ne3A_56 : i32
      %lt3A_58 = arith.constant 0 : i32
      %lt3A_59 = arith.cmpi slt, %rem3A_55, %lt3A_58 : i32
      %lt3A_60 = arith.constant 0 : i32
      %lt3A_61 = arith.cmpi slt, %select_n3A_54, %lt3A_60 : i32
      %ne3A_62 = arith.xori %lt3A_59, %lt3A_61 : i1
      %and3A_63 = arith.andi %ne3A_62, %ne3A_57 : i1
      %add3A_64 = arith.addi %rem3A_55, %select_n3A_54 : i32
      %select_n3A_65 = arith.select %and3A_63, %add3A_64, %rem3A_55 : i32
      %broadcast_in_dim3A = arith.constant 0.000000e+00 : f32
      %broadcast_in_dim3A_66 = vector.broadcast %broadcast_in_dim3A : f32 to vector<16xf32>
      %mul3A_67 = arith.constant 16 : i32
      %mul3A_68 = arith.muli %select_n3A_65, %mul3A_67 : i32
      %swap3A = arith.index_cast %select_n3A : i32 to index
      %swap3A_69 = arith.index_cast %mul3A_68 : i32 to index
      %swap3A_70 = tpu.vector_load %arg8[%swap3A, %swap3A_69] {strides = array<i32>} : memref<128x128xf32, #tpu.memory_space<vmem>>, vector<1x16xf32>,
      %swap3A_71 = vector.shape_cast %swap3A_70 : vector<1x16xf32> to vector<16xf32>
      %swap3A_72 = vector.shape_cast %broadcast_in_dim3A_66 : vector<16xf32> to vector<1x16xf32>
      tpu.vector_store %arg8[%swap3A, %swap3A_69], %swap3A_72 {strides = array<i32>} : memref<128x128xf32, #tpu.memory_space<vmem>>, vector<1x16xf32>,
    }
    %scan3A_4 = arith.constant 1024 : i32
    %mul3A_5 = arith.constant 640 : i32
    %mul3A_6 = arith.muli %arg1, %mul3A_5 : i32
    %add3A_7 = arith.constant 0 : i32
    %add3A_8 = arith.addi %mul3A_6, %add3A_7 : i32
    "tpu.region"() ({
      %run_scoped3A = tpu.sem_alloc : memref<!tpu.dma_semaphore, #tpu.memory_space<semaphore_mem>>
      %dma_start3A = arith.constant 0 : i32
      %dma_start3A_29 = tpu.memref_slice %arg9[%add3A_8, %dma_start3A] : memref<10240x128xf32, #tpu.memory_space<vmem_shared>> -> memref<128x128xf32, #tpu.memory_space<vmem_shared>>
      %dma_start3A_30 = arith.constant 0 : i32
      %dma_start3A_31 = tpu.memref_slice %arg9[%add3A_8, %dma_start3A_30] : memref<10240x128xf32, #tpu.memory_space<vmem_shared>> -> memref<128x128xf32, #tpu.memory_space<vmem_shared>>
      tpu.enqueue_dma source(%arg8 : memref<128x128xf32, #tpu.memory_space<vmem>>) target(%dma_start3A_31 : memref<128x128xf32, #tpu.memory_space<vmem_shared>>) target_semaphore(%run_scoped3A : memref<!tpu.dma_semaphore, #tpu.memory_space<semaphore_mem>>)
      %dma_wait3A = arith.constant 0 : i32
      %dma_wait3A_32 = tpu.memref_slice %arg9[%add3A_8, %dma_wait3A] : memref<10240x128xf32, #tpu.memory_space<vmem_shared>> -> memref<128x128xf32, #tpu.memory_space<vmem_shared>>
      %dma_wait3A_33 = arith.constant 0 : i32
      %dma_wait3A_34 = tpu.memref_slice %arg9[%add3A_8, %dma_wait3A_33] : memref<10240x128xf32, #tpu.memory_space<vmem_shared>> -> memref<128x128xf32, #tpu.memory_space<vmem_shared>>
      tpu.wait_dma2 semaphore(%run_scoped3A : memref<!tpu.dma_semaphore, #tpu.memory_space<semaphore_mem>>) src(%arg8 : memref<128x128xf32, #tpu.memory_space<vmem>>) dst(%dma_wait3A_34 : memref<128x128xf32, #tpu.memory_space<vmem_shared>>)
      tpu.yield
    }) : () -> ()
    %add3A_9 = arith.constant 128 : i32
    %add3A_10 = arith.addi %mul3A_6, %add3A_9 : i32
    "tpu.region"() ({
      %run_scoped3A = tpu.sem_alloc : memref<!tpu.dma_semaphore, #tpu.memory_space<semaphore_mem>>
      %dma_start3A = arith.constant 0 : i32
      %dma_start3A_29 = tpu.memref_slice %arg9[%add3A_10, %dma_start3A] : memref<10240x128xf32, #tpu.memory_space<vmem_shared>> -> memref<128x128xf32, #tpu.memory_space<vmem_shared>>
      %dma_start3A_30 = arith.constant 0 : i32
      %dma_start3A_31 = tpu.memref_slice %arg9[%add3A_10, %dma_start3A_30] : memref<10240x128xf32, #tpu.memory_space<vmem_shared>> -> memref<128x128xf32, #tpu.memory_space<vmem_shared>>
      tpu.enqueue_dma source(%arg8 : memref<128x128xf32, #tpu.memory_space<vmem>>) target(%dma_start3A_31 : memref<128x128xf32, #tpu.memory_space<vmem_shared>>) target_semaphore(%run_scoped3A : memref<!tpu.dma_semaphore, #tpu.memory_space<semaphore_mem>>)
      %dma_wait3A = arith.constant 0 : i32
      %dma_wait3A_32 = tpu.memref_slice %arg9[%add3A_10, %dma_wait3A] : memref<10240x128xf32, #tpu.memory_space<vmem_shared>> -> memref<128x128xf32, #tpu.memory_space<vmem_shared>>
      %dma_wait3A_33 = arith.constant 0 : i32
      %dma_wait3A_34 = tpu.memref_slice %arg9[%add3A_10, %dma_wait3A_33] : memref<10240x128xf32, #tpu.memory_space<vmem_shared>> -> memref<128x128xf32, #tpu.memory_space<vmem_shared>>
      tpu.wait_dma2 semaphore(%run_scoped3A : memref<!tpu.dma_semaphore, #tpu.memory_space<semaphore_mem>>) src(%arg8 : memref<128x128xf32, #tpu.memory_space<vmem>>) dst(%dma_wait3A_34 : memref<128x128xf32, #tpu.memory_space<vmem_shared>>)
      tpu.yield
    }) : () -> ()
    %add3A_11 = arith.constant 256 : i32
    %add3A_12 = arith.addi %mul3A_6, %add3A_11 : i32
    "tpu.region"() ({
      %run_scoped3A = tpu.sem_alloc : memref<!tpu.dma_semaphore, #tpu.memory_space<semaphore_mem>>
      %dma_start3A = arith.constant 0 : i32
      %dma_start3A_29 = tpu.memref_slice %arg9[%add3A_12, %dma_start3A] : memref<10240x128xf32, #tpu.memory_space<vmem_shared>> -> memref<128x128xf32, #tpu.memory_space<vmem_shared>>
      %dma_start3A_30 = arith.constant 0 : i32
      %dma_start3A_31 = tpu.memref_slice %arg9[%add3A_12, %dma_start3A_30] : memref<10240x128xf32, #tpu.memory_space<vmem_shared>> -> memref<128x128xf32, #tpu.memory_space<vmem_shared>>
      tpu.enqueue_dma source(%arg8 : memref<128x128xf32, #tpu.memory_space<vmem>>) target(%dma_start3A_31 : memref<128x128xf32, #tpu.memory_space<vmem_shared>>) target_semaphore(%run_scoped3A : memref<!tpu.dma_semaphore, #tpu.memory_space<semaphore_mem>>)
      %dma_wait3A = arith.constant 0 : i32
      %dma_wait3A_32 = tpu.memref_slice %arg9[%add3A_12, %dma_wait3A] : memref<10240x128xf32, #tpu.memory_space<vmem_shared>> -> memref<128x128xf32, #tpu.memory_space<vmem_shared>>
      %dma_wait3A_33 = arith.constant 0 : i32
      %dma_wait3A_34 = tpu.memref_slice %arg9[%add3A_12, %dma_wait3A_33] : memref<10240x128xf32, #tpu.memory_space<vmem_shared>> -> memref<128x128xf32, #tpu.memory_space<vmem_shared>>
      tpu.wait_dma2 semaphore(%run_scoped3A : memref<!tpu.dma_semaphore, #tpu.memory_space<semaphore_mem>>) src(%arg8 : memref<128x128xf32, #tpu.memory_space<vmem>>) dst(%dma_wait3A_34 : memref<128x128xf32, #tpu.memory_space<vmem_shared>>)
      tpu.yield
    }) : () -> ()
    %add3A_13 = arith.constant 384 : i32
    %add3A_14 = arith.addi %mul3A_6, %add3A_13 : i32
    "tpu.region"() ({
      %run_scoped3A = tpu.sem_alloc : memref<!tpu.dma_semaphore, #tpu.memory_space<semaphore_mem>>
      %dma_start3A = arith.constant 0 : i32
      %dma_start3A_29 = tpu.memref_slice %arg9[%add3A_14, %dma_start3A] : memref<10240x128xf32, #tpu.memory_space<vmem_shared>> -> memref<128x128xf32, #tpu.memory_space<vmem_shared>>
      %dma_start3A_30 = arith.constant 0 : i32
      %dma_start3A_31 = tpu.memref_slice %arg9[%add3A_14, %dma_start3A_30] : memref<10240x128xf32, #tpu.memory_space<vmem_shared>> -> memref<128x128xf32, #tpu.memory_space<vmem_shared>>
      tpu.enqueue_dma source(%arg8 : memref<128x128xf32, #tpu.memory_space<vmem>>) target(%dma_start3A_31 : memref<128x128xf32, #tpu.memory_space<vmem_shared>>) target_semaphore(%run_scoped3A : memref<!tpu.dma_semaphore, #tpu.memory_space<semaphore_mem>>)
      %dma_wait3A = arith.constant 0 : i32
      %dma_wait3A_32 = tpu.memref_slice %arg9[%add3A_14, %dma_wait3A] : memref<10240x128xf32, #tpu.memory_space<vmem_shared>> -> memref<128x128xf32, #tpu.memory_space<vmem_shared>>
      %dma_wait3A_33 = arith.constant 0 : i32
      %dma_wait3A_34 = tpu.memref_slice %arg9[%add3A_14, %dma_wait3A_33] : memref<10240x128xf32, #tpu.memory_space<vmem_shared>> -> memref<128x128xf32, #tpu.memory_space<vmem_shared>>
      tpu.wait_dma2 semaphore(%run_scoped3A : memref<!tpu.dma_semaphore, #tpu.memory_space<semaphore_mem>>) src(%arg8 : memref<128x128xf32, #tpu.memory_space<vmem>>) dst(%dma_wait3A_34 : memref<128x128xf32, #tpu.memory_space<vmem_shared>>)
      tpu.yield
    }) : () -> ()
    %add3A_15 = arith.constant 512 : i32
    %add3A_16 = arith.addi %mul3A_6, %add3A_15 : i32
    "tpu.region"() ({
      %run_scoped3A = tpu.sem_alloc : memref<!tpu.dma_semaphore, #tpu.memory_space<semaphore_mem>>
      %dma_start3A = arith.constant 0 : i32
      %dma_start3A_29 = tpu.memref_slice %arg9[%add3A_16, %dma_start3A] : memref<10240x128xf32, #tpu.memory_space<vmem_shared>> -> memref<128x128xf32, #tpu.memory_space<vmem_shared>>
      %dma_start3A_30 = arith.constant 0 : i32
      %dma_start3A_31 = tpu.memref_slice %arg9[%add3A_16, %dma_start3A_30] : memref<10240x128xf32, #tpu.memory_space<vmem_shared>> -> memref<128x128xf32, #tpu.memory_space<vmem_shared>>
      tpu.enqueue_dma source(%arg8 : memref<128x128xf32, #tpu.memory_space<vmem>>) target(%dma_start3A_31 : memref<128x128xf32, #tpu.memory_space<vmem_shared>>) target_semaphore(%run_scoped3A : memref<!tpu.dma_semaphore, #tpu.memory_space<semaphore_mem>>)
      %dma_wait3A = arith.constant 0 : i32
      %dma_wait3A_32 = tpu.memref_slice %arg9[%add3A_16, %dma_wait3A] : memref<10240x128xf32, #tpu.memory_space<vmem_shared>> -> memref<128x128xf32, #tpu.memory_space<vmem_shared>>
      %dma_wait3A_33 = arith.constant 0 : i32
      %dma_wait3A_34 = tpu.memref_slice %arg9[%add3A_16, %dma_wait3A_33] : memref<10240x128xf32, #tpu.memory_space<vmem_shared>> -> memref<128x128xf32, #tpu.memory_space<vmem_shared>>
      tpu.wait_dma2 semaphore(%run_scoped3A : memref<!tpu.dma_semaphore, #tpu.memory_space<semaphore_mem>>) src(%arg8 : memref<128x128xf32, #tpu.memory_space<vmem>>) dst(%dma_wait3A_34 : memref<128x128xf32, #tpu.memory_space<vmem_shared>>)
      tpu.yield
    }) : () -> ()
    %barrier3A = arith.constant 0 : index
    tpu.barrier barrier_id(%barrier3A)
    %scan3A_17 = arith.constant 0 : i32
    %scan3A_18 = arith.constant 79 : i32
    %scan3A_19 = arith.addi %scan3A_17, %scan3A_18 : i32
    %scan3A_20 = arith.constant 1 : i32
    scf.for %scan3A_29 = %scan3A_17 to %scan3A_19 step %scan3A_20  : i32 {
      %mul3A_30 = arith.constant 1 : i32
      %mul3A_31 = arith.muli %scan3A_29, %mul3A_30 : i32
      %add3A_32 = arith.constant 0 : i32
      %add3A_33 = arith.addi %add3A_32, %mul3A_31 : i32
      "tpu.region"() ({
        %run_scoped3A = tpu.sem_alloc : memref<!tpu.dma_semaphore, #tpu.memory_space<semaphore_mem>>
        %dma_start3A = arith.constant 0 : i32
        %dma_start3A_34 = tpu.memref_slice %arg6[%add3A_33, %dma_start3A] : memref<79x128xi32, #tpu.memory_space<vmem>> -> memref<1x128xi32, #tpu.memory_space<vmem>>
        %dma_start3A_35 = tpu.memref_squeeze %dma_start3A_34 : memref<1x128xi32, #tpu.memory_space<vmem>> -> memref<128xi32, #tpu.memory_space<vmem>>
        %dma_start3A_36 = arith.constant 0 : i32
        %dma_start3A_37 = arith.constant 0 : i32
        %dma_start3A_38 = tpu.memref_slice %arg4[%dma_start3A_36, %dma_start3A_37] : memref<10000x128xf32, #tpu.memory_space<hbm>> -> memref<10000x128xf32, #tpu.memory_space<hbm>>
        tpu.enqueue_indirect_dma source(%dma_start3A_38 : memref<10000x128xf32, #tpu.memory_space<hbm>>) target(%arg8 : memref<128x128xf32, #tpu.memory_space<vmem>>) offsets(%dma_start3A_35 : memref<128xi32, #tpu.memory_space<vmem>>) semaphore(%run_scoped3A : memref<!tpu.dma_semaphore, #tpu.memory_space<semaphore_mem>>)
        %dma_wait3A = arith.constant 0 : i32
        %dma_wait3A_39 = tpu.memref_slice %arg6[%add3A_33, %dma_wait3A] : memref<79x128xi32, #tpu.memory_space<vmem>> -> memref<1x128xi32, #tpu.memory_space<vmem>>
        %dma_wait3A_40 = tpu.memref_squeeze %dma_wait3A_39 : memref<1x128xi32, #tpu.memory_space<vmem>> -> memref<128xi32, #tpu.memory_space<vmem>>
        %dma_wait3A_41 = arith.constant 0 : i32
        %dma_wait3A_42 = arith.constant 0 : i32
        %dma_wait3A_43 = tpu.memref_slice %arg4[%dma_wait3A_41, %dma_wait3A_42] : memref<10000x128xf32, #tpu.memory_space<hbm>> -> memref<10000x128xf32, #tpu.memory_space<hbm>>
        tpu.wait_indirect_dma semaphore(%run_scoped3A : memref<!tpu.dma_semaphore, #tpu.memory_space<semaphore_mem>>) src(%dma_wait3A_43 : memref<10000x128xf32, #tpu.memory_space<hbm>>) dst(%arg8 : memref<128x128xf32, #tpu.memory_space<vmem>>)
        tpu.yield
      }) : () -> ()
      "tpu.region"() ({
        %run_scoped3A = tpu.sem_alloc : memref<!tpu.dma_semaphore, #tpu.memory_space<semaphore_mem>>
        %dma_start3A = arith.constant 0 : i32
        %dma_start3A_34 = tpu.memref_slice %arg7[%add3A_33, %dma_start3A] : memref<79x128xi32, #tpu.memory_space<vmem>> -> memref<1x128xi32, #tpu.memory_space<vmem>>
        %dma_start3A_35 = tpu.memref_squeeze %dma_start3A_34 : memref<1x128xi32, #tpu.memory_space<vmem>> -> memref<128xi32, #tpu.memory_space<vmem>>
        %dma_start3A_36 = arith.constant 0 : i32
        %dma_start3A_37 = arith.constant 0 : i32
        %dma_start3A_38 = tpu.memref_slice %arg9[%dma_start3A_36, %dma_start3A_37] : memref<10240x128xf32, #tpu.memory_space<vmem_shared>> -> memref<10240x128xf32, #tpu.memory_space<vmem_shared>>
        tpu.enqueue_indirect_dma source(%arg8 : memref<128x128xf32, #tpu.memory_space<vmem>>) target(%dma_start3A_38 : memref<10240x128xf32, #tpu.memory_space<vmem_shared>>) offsets(%dma_start3A_35 : memref<128xi32, #tpu.memory_space<vmem>>) semaphore(%run_scoped3A : memref<!tpu.dma_semaphore, #tpu.memory_space<semaphore_mem>>) {add = true}
        %dma_wait3A = arith.constant 0 : i32
        %dma_wait3A_39 = tpu.memref_slice %arg7[%add3A_33, %dma_wait3A] : memref<79x128xi32, #tpu.memory_space<vmem>> -> memref<1x128xi32, #tpu.memory_space<vmem>>
        %dma_wait3A_40 = tpu.memref_squeeze %dma_wait3A_39 : memref<1x128xi32, #tpu.memory_space<vmem>> -> memref<128xi32, #tpu.memory_space<vmem>>
        %dma_wait3A_41 = arith.constant 0 : i32
        %dma_wait3A_42 = arith.constant 0 : i32
        %dma_wait3A_43 = tpu.memref_slice %arg9[%dma_wait3A_41, %dma_wait3A_42] : memref<10240x128xf32, #tpu.memory_space<vmem_shared>> -> memref<10240x128xf32, #tpu.memory_space<vmem_shared>>
        tpu.wait_indirect_dma semaphore(%run_scoped3A : memref<!tpu.dma_semaphore, #tpu.memory_space<semaphore_mem>>) src(%arg8 : memref<128x128xf32, #tpu.memory_space<vmem>>) dst(%dma_wait3A_43 : memref<10240x128xf32, #tpu.memory_space<vmem_shared>>)
        tpu.yield
      }) : () -> ()
    }
    %scan3A_21 = arith.constant 79 : i32
    %barrier3A_22 = arith.constant 0 : index
    tpu.barrier barrier_id(%barrier3A_22)
    %lt3A = arith.constant 15 : i32
    %lt3A_23 = arith.cmpi slt, %arg1, %lt3A : i32
    %convert_element_type3A = arith.extui %lt3A_23 : i1 to i32
    %cond3A = arith.constant 0 : i32
    %cond3A_24 = arith.cmpi ne, %convert_element_type3A, %cond3A : i32
    scf.if %cond3A_24 {
      "tpu.region"() ({
        %run_scoped3A = tpu.sem_alloc : memref<!tpu.dma_semaphore, #tpu.memory_space<semaphore_mem>>
        %dma_start3A = arith.constant 0 : i32
        %dma_start3A_29 = tpu.memref_slice %arg5[%arg0, %mul3A_6, %dma_start3A] : memref<2x10000x128xf32, #tpu.memory_space<hbm>> -> memref<1x640x128xf32, #tpu.memory_space<hbm>>
        %dma_start3A_30 = tpu.memref_squeeze %dma_start3A_29 : memref<1x640x128xf32, #tpu.memory_space<hbm>> -> memref<640x128xf32, #tpu.memory_space<hbm>>
        %dma_start3A_31 = arith.constant 0 : i32
        %dma_start3A_32 = tpu.memref_slice %arg9[%mul3A_6, %dma_start3A_31] : memref<10240x128xf32, #tpu.memory_space<vmem_shared>> -> memref<640x128xf32, #tpu.memory_space<vmem_shared>>
        tpu.enqueue_dma source(%dma_start3A_32 : memref<640x128xf32, #tpu.memory_space<vmem_shared>>) target(%dma_start3A_30 : memref<640x128xf32, #tpu.memory_space<hbm>>) target_semaphore(%run_scoped3A : memref<!tpu.dma_semaphore, #tpu.memory_space<semaphore_mem>>)
        %dma_wait3A = arith.constant 0 : i32
        %dma_wait3A_33 = tpu.memref_slice %arg5[%arg0, %mul3A_6, %dma_wait3A] : memref<2x10000x128xf32, #tpu.memory_space<hbm>> -> memref<1x640x128xf32, #tpu.memory_space<hbm>>
        %dma_wait3A_34 = tpu.memref_squeeze %dma_wait3A_33 : memref<1x640x128xf32, #tpu.memory_space<hbm>> -> memref<640x128xf32, #tpu.memory_space<hbm>>
        %dma_wait3A_35 = arith.constant 0 : i32
        %dma_wait3A_36 = tpu.memref_slice %arg9[%mul3A_6, %dma_wait3A_35] : memref<10240x128xf32, #tpu.memory_space<vmem_shared>> -> memref<640x128xf32, #tpu.memory_space<vmem_shared>>
        tpu.wait_dma2 semaphore(%run_scoped3A : memref<!tpu.dma_semaphore, #tpu.memory_space<semaphore_mem>>) src(%dma_wait3A_36 : memref<640x128xf32, #tpu.memory_space<vmem_shared>>) dst(%dma_wait3A_34 : memref<640x128xf32, #tpu.memory_space<hbm>>)
        tpu.yield
      }) : () -> ()
    } else {
    }
    %eq3A = arith.constant 15 : i32
    %eq3A_25 = arith.cmpi eq, %arg1, %eq3A : i32
    %convert_element_type3A_26 = arith.extui %eq3A_25 : i1 to i32
    %cond3A_27 = arith.constant 0 : i32
    %cond3A_28 = arith.cmpi ne, %convert_element_type3A_26, %cond3A_27 : i32
    scf.if %cond3A_28 {
      "tpu.region"() ({
        %run_scoped3A = tpu.sem_alloc : memref<!tpu.dma_semaphore, #tpu.memory_space<semaphore_mem>>
        %dma_start3A = arith.constant 9600 : i32
        %dma_start3A_29 = arith.constant 0 : i32
        %dma_start3A_30 = tpu.memref_slice %arg5[%arg0, %dma_start3A, %dma_start3A_29] : memref<2x10000x128xf32, #tpu.memory_space<hbm>> -> memref<1x400x128xf32, #tpu.memory_space<hbm>>
        %dma_start3A_31 = tpu.memref_squeeze %dma_start3A_30 : memref<1x400x128xf32, #tpu.memory_space<hbm>> -> memref<400x128xf32, #tpu.memory_space<hbm>>
        %dma_start3A_32 = arith.constant 9600 : i32
        %dma_start3A_33 = arith.constant 0 : i32
        %dma_start3A_34 = tpu.memref_slice %arg9[%dma_start3A_32, %dma_start3A_33] : memref<10240x128xf32, #tpu.memory_space<vmem_shared>> -> memref<400x128xf32, #tpu.memory_space<vmem_shared>>
        tpu.enqueue_dma source(%dma_start3A_34 : memref<400x128xf32, #tpu.memory_space<vmem_shared>>) target(%dma_start3A_31 : memref<400x128xf32, #tpu.memory_space<hbm>>) target_semaphore(%run_scoped3A : memref<!tpu.dma_semaphore, #tpu.memory_space<semaphore_mem>>)
        %dma_wait3A = arith.constant 9600 : i32
        %dma_wait3A_35 = arith.constant 0 : i32
        %dma_wait3A_36 = tpu.memref_slice %arg5[%arg0, %dma_wait3A, %dma_wait3A_35] : memref<2x10000x128xf32, #tpu.memory_space<hbm>> -> memref<1x400x128xf32, #tpu.memory_space<hbm>>
        %dma_wait3A_37 = tpu.memref_squeeze %dma_wait3A_36 : memref<1x400x128xf32, #tpu.memory_space<hbm>> -> memref<400x128xf32, #tpu.memory_space<hbm>>
        %dma_wait3A_38 = arith.constant 9600 : i32
        %dma_wait3A_39 = arith.constant 0 : i32
        %dma_wait3A_40 = tpu.memref_slice %arg9[%dma_wait3A_38, %dma_wait3A_39] : memref<10240x128xf32, #tpu.memory_space<vmem_shared>> -> memref<400x128xf32, #tpu.memory_space<vmem_shared>>
        tpu.wait_dma2 semaphore(%run_scoped3A : memref<!tpu.dma_semaphore, #tpu.memory_space<semaphore_mem>>) src(%dma_wait3A_40 : memref<400x128xf32, #tpu.memory_space<vmem_shared>>) dst(%dma_wait3A_37 : memref<400x128xf32, #tpu.memory_space<hbm>>)
        tpu.yield
      }) : () -> ()
    } else {
    }
    return
  }
}

#map = affine_map<(d0, d1) -> (0, 0, 0)>
module attributes {stable_mosaic.version = 14 : i64} {
  func.func @countk(%arg0: i32, %arg1: i32, %arg2: memref<32x79x128xi32, #tpu.memory_space<hbm>>, %arg3: memref<32x79x128xf32, #tpu.memory_space<hbm>>, %arg4: memref<79x128xi32, #tpu.memory_space<vmem>>, %arg5: memref<79x128xf32, #tpu.memory_space<vmem>>) attributes {dimension_semantics = [#tpu.dimension_semantics<core_parallel>, #tpu.dimension_semantics<subcore_parallel>], iteration_bounds = array<i64: 2, 16>, scalar_prefetch = 0 : i64, scratch_operands = 2 : i64, tpu.core_type = #tpu.core_type<sc_vector_subcore>, window_params = [{transform_indices = #map}, {transform_indices = #map}]} {
    %mul3A = arith.constant 16 : i32
    %mul3A_0 = arith.muli %arg0, %mul3A : i32
    %add3A = arith.addi %mul3A_0, %arg1 : i32
    "tpu.region"() ({
      %run_scoped3A = tpu.sem_alloc : memref<!tpu.dma_semaphore, #tpu.memory_space<semaphore_mem>>
      %dma_start3A = arith.constant 0 : i32
      %dma_start3A_10 = arith.constant 0 : i32
      %dma_start3A_11 = tpu.memref_slice %arg2[%add3A, %dma_start3A, %dma_start3A_10] : memref<32x79x128xi32, #tpu.memory_space<hbm>> -> memref<1x79x128xi32, #tpu.memory_space<hbm>>
      %dma_start3A_12 = tpu.memref_squeeze %dma_start3A_11 : memref<1x79x128xi32, #tpu.memory_space<hbm>> -> memref<79x128xi32, #tpu.memory_space<hbm>>
      %dma_start3A_13 = arith.constant 0 : i32
      %dma_start3A_14 = arith.constant 0 : i32
      %dma_start3A_15 = tpu.memref_slice %arg2[%add3A, %dma_start3A_13, %dma_start3A_14] : memref<32x79x128xi32, #tpu.memory_space<hbm>> -> memref<1x79x128xi32, #tpu.memory_space<hbm>>
      %dma_start3A_16 = tpu.memref_squeeze %dma_start3A_15 : memref<1x79x128xi32, #tpu.memory_space<hbm>> -> memref<79x128xi32, #tpu.memory_space<hbm>>
      tpu.enqueue_dma source(%dma_start3A_16 : memref<79x128xi32, #tpu.memory_space<hbm>>) target(%arg4 : memref<79x128xi32, #tpu.memory_space<vmem>>) target_semaphore(%run_scoped3A : memref<!tpu.dma_semaphore, #tpu.memory_space<semaphore_mem>>)
      %dma_wait3A = arith.constant 0 : i32
      %dma_wait3A_17 = arith.constant 0 : i32
      %dma_wait3A_18 = tpu.memref_slice %arg2[%add3A, %dma_wait3A, %dma_wait3A_17] : memref<32x79x128xi32, #tpu.memory_space<hbm>> -> memref<1x79x128xi32, #tpu.memory_space<hbm>>
      %dma_wait3A_19 = tpu.memref_squeeze %dma_wait3A_18 : memref<1x79x128xi32, #tpu.memory_space<hbm>> -> memref<79x128xi32, #tpu.memory_space<hbm>>
      %dma_wait3A_20 = arith.constant 0 : i32
      %dma_wait3A_21 = arith.constant 0 : i32
      %dma_wait3A_22 = tpu.memref_slice %arg2[%add3A, %dma_wait3A_20, %dma_wait3A_21] : memref<32x79x128xi32, #tpu.memory_space<hbm>> -> memref<1x79x128xi32, #tpu.memory_space<hbm>>
      %dma_wait3A_23 = tpu.memref_squeeze %dma_wait3A_22 : memref<1x79x128xi32, #tpu.memory_space<hbm>> -> memref<79x128xi32, #tpu.memory_space<hbm>>
      tpu.wait_dma2 semaphore(%run_scoped3A : memref<!tpu.dma_semaphore, #tpu.memory_space<semaphore_mem>>) src(%dma_wait3A_23 : memref<79x128xi32, #tpu.memory_space<hbm>>) dst(%arg4 : memref<79x128xi32, #tpu.memory_space<vmem>>)
      tpu.yield
    }) : () -> ()
    %scan3A = arith.constant 0 : i32
    %scan3A_1 = arith.constant 632 : i32
    %scan3A_2 = arith.addi %scan3A, %scan3A_1 : i32
    %scan3A_3 = arith.constant 1 : i32
    scf.for %scan3A_10 = %scan3A to %scan3A_2 step %scan3A_3  : i32 {
      %mul3A_11 = arith.constant 1 : i32
      %mul3A_12 = arith.muli %scan3A_10, %mul3A_11 : i32
      %add3A_13 = arith.constant 0 : i32
      %add3A_14 = arith.addi %add3A_13, %mul3A_12 : i32
      %jit3A = arith.constant 8 : i32
      %div3A = arith.divsi %add3A_14, %jit3A : i32
      %sign3A = arith.constant 0 : i32
      %sign3A_15 = arith.cmpi sgt, %add3A_14, %sign3A : i32
      %sign3A_16 = arith.extui %sign3A_15 : i1 to i32
      %sign3A_17 = arith.constant 0 : i32
      %sign3A_18 = arith.cmpi slt, %add3A_14, %sign3A_17 : i32
      %sign3A_19 = arith.extui %sign3A_18 : i1 to i32
      %sign3A_20 = arith.subi %sign3A_16, %sign3A_19 : i32
      %sign3A_21 = arith.constant 0 : i32
      %sign3A_22 = arith.cmpi sgt, %jit3A, %sign3A_21 : i32
      %sign3A_23 = arith.extui %sign3A_22 : i1 to i32
      %sign3A_24 = arith.constant 0 : i32
      %sign3A_25 = arith.cmpi slt, %jit3A, %sign3A_24 : i32
      %sign3A_26 = arith.extui %sign3A_25 : i1 to i32
      %sign3A_27 = arith.subi %sign3A_23, %sign3A_26 : i32
      %ne3A = arith.cmpi ne, %sign3A_20, %sign3A_27 : i32
      %rem3A = arith.remsi %add3A_14, %jit3A : i32
      %ne3A_28 = arith.constant 0 : i32
      %ne3A_29 = arith.cmpi ne, %rem3A, %ne3A_28 : i32
      %and3A = arith.andi %ne3A, %ne3A_29 : i1
      %sub3A = arith.constant 1 : i32
      %sub3A_30 = arith.subi %div3A, %sub3A : i32
      %select_n3A = arith.select %and3A, %sub3A_30, %div3A : i32
      %jit3A_31 = arith.constant 8 : i32
      %eq3A = arith.constant 0 : i32
      %eq3A_32 = arith.cmpi eq, %jit3A_31, %eq3A : i32
      %jit3A_33 = arith.constant 1 : i32
      %select_n3A_34 = arith.select %eq3A_32, %jit3A_33, %jit3A_31 : i32
      %rem3A_35 = arith.remsi %add3A_14, %select_n3A_34 : i32
      %ne3A_36 = arith.constant 0 : i32
      %ne3A_37 = arith.cmpi ne, %rem3A_35, %ne3A_36 : i32
      %lt3A = arith.constant 0 : i32
      %lt3A_38 = arith.cmpi slt, %rem3A_35, %lt3A : i32
      %lt3A_39 = arith.constant 0 : i32
      %lt3A_40 = arith.cmpi slt, %select_n3A_34, %lt3A_39 : i32
      %ne3A_41 = arith.xori %lt3A_38, %lt3A_40 : i1
      %and3A_42 = arith.andi %ne3A_41, %ne3A_37 : i1
      %add3A_43 = arith.addi %rem3A_35, %select_n3A_34 : i32
      %select_n3A_44 = arith.select %and3A_42, %add3A_43, %rem3A_35 : i32
      %broadcast_in_dim3A = arith.constant 0.000000e+00 : f32
      %broadcast_in_dim3A_45 = vector.broadcast %broadcast_in_dim3A : f32 to vector<16xf32>
      %mul3A_46 = arith.constant 16 : i32
      %mul3A_47 = arith.muli %select_n3A_44, %mul3A_46 : i32
      %swap3A = arith.index_cast %select_n3A : i32 to index
      %swap3A_48 = arith.index_cast %mul3A_47 : i32 to index
      %swap3A_49 = tpu.vector_load %arg5[%swap3A, %swap3A_48] {strides = array<i32>} : memref<79x128xf32, #tpu.memory_space<vmem>>, vector<16xf32>,
      tpu.vector_store %arg5[%swap3A, %swap3A_48], %broadcast_in_dim3A_45 {strides = array<i32>} : memref<79x128xf32, #tpu.memory_space<vmem>>, vector<16xf32>,
    }
    %scan3A_4 = arith.constant 632 : i32
    %scan3A_5 = arith.constant 0 : i32
    %scan3A_6 = arith.constant 632 : i32
    %scan3A_7 = arith.addi %scan3A_5, %scan3A_6 : i32
    %scan3A_8 = arith.constant 1 : i32
    scf.for %scan3A_10 = %scan3A_5 to %scan3A_7 step %scan3A_8  : i32 {
      %mul3A_11 = arith.constant 1 : i32
      %mul3A_12 = arith.muli %scan3A_10, %mul3A_11 : i32
      %add3A_13 = arith.constant 0 : i32
      %add3A_14 = arith.addi %add3A_13, %mul3A_12 : i32
      %jit3A = arith.constant 8 : i32
      %div3A = arith.divsi %add3A_14, %jit3A : i32
      %sign3A = arith.constant 0 : i32
      %sign3A_15 = arith.cmpi sgt, %add3A_14, %sign3A : i32
      %sign3A_16 = arith.extui %sign3A_15 : i1 to i32
      %sign3A_17 = arith.constant 0 : i32
      %sign3A_18 = arith.cmpi slt, %add3A_14, %sign3A_17 : i32
      %sign3A_19 = arith.extui %sign3A_18 : i1 to i32
      %sign3A_20 = arith.subi %sign3A_16, %sign3A_19 : i32
      %sign3A_21 = arith.constant 0 : i32
      %sign3A_22 = arith.cmpi sgt, %jit3A, %sign3A_21 : i32
      %sign3A_23 = arith.extui %sign3A_22 : i1 to i32
      %sign3A_24 = arith.constant 0 : i32
      %sign3A_25 = arith.cmpi slt, %jit3A, %sign3A_24 : i32
      %sign3A_26 = arith.extui %sign3A_25 : i1 to i32
      %sign3A_27 = arith.subi %sign3A_23, %sign3A_26 : i32
      %ne3A = arith.cmpi ne, %sign3A_20, %sign3A_27 : i32
      %rem3A = arith.remsi %add3A_14, %jit3A : i32
      %ne3A_28 = arith.constant 0 : i32
      %ne3A_29 = arith.cmpi ne, %rem3A, %ne3A_28 : i32
      %and3A = arith.andi %ne3A, %ne3A_29 : i1
      %sub3A = arith.constant 1 : i32
      %sub3A_30 = arith.subi %div3A, %sub3A : i32
      %select_n3A = arith.select %and3A, %sub3A_30, %div3A : i32
      %jit3A_31 = arith.constant 8 : i32
      %eq3A = arith.constant 0 : i32
      %eq3A_32 = arith.cmpi eq, %jit3A_31, %eq3A : i32
      %jit3A_33 = arith.constant 1 : i32
      %select_n3A_34 = arith.select %eq3A_32, %jit3A_33, %jit3A_31 : i32
      %rem3A_35 = arith.remsi %add3A_14, %select_n3A_34 : i32
      %ne3A_36 = arith.constant 0 : i32
      %ne3A_37 = arith.cmpi ne, %rem3A_35, %ne3A_36 : i32
      %lt3A = arith.constant 0 : i32
      %lt3A_38 = arith.cmpi slt, %rem3A_35, %lt3A : i32
      %lt3A_39 = arith.constant 0 : i32
      %lt3A_40 = arith.cmpi slt, %select_n3A_34, %lt3A_39 : i32
      %ne3A_41 = arith.xori %lt3A_38, %lt3A_40 : i1
      %and3A_42 = arith.andi %ne3A_41, %ne3A_37 : i1
      %add3A_43 = arith.addi %rem3A_35, %select_n3A_34 : i32
      %select_n3A_44 = arith.select %and3A_42, %add3A_43, %rem3A_35 : i32
      %mul3A_45 = arith.constant 16 : i32
      %mul3A_46 = arith.muli %select_n3A_44, %mul3A_45 : i32
      %get3A = arith.index_cast %select_n3A : i32 to index
      %get3A_47 = arith.index_cast %mul3A_46 : i32 to index
      %get3A_48 = tpu.vector_load %arg4[%get3A, %get3A_47] {strides = array<i32>} : memref<79x128xi32, #tpu.memory_space<vmem>>, vector<16xi32>,
      %shift_right_arithmetic3A = arith.constant 7 : i32
      %shift_right_arithmetic3A_49 = vector.broadcast %shift_right_arithmetic3A : i32 to vector<16xi32>
      %shift_right_arithmetic3A_50 = arith.shrsi %get3A_48, %shift_right_arithmetic3A_49 : vector<16xi32>
      %and3A_51 = arith.constant 127 : i32
      %and3A_52 = vector.broadcast %and3A_51 : i32 to vector<16xi32>
      %and3A_53 = arith.andi %get3A_48, %and3A_52 : vector<16xi32>
      %broadcast_in_dim3A = arith.constant 1.000000e+00 : f32
      %broadcast_in_dim3A_54 = vector.broadcast %broadcast_in_dim3A : f32 to vector<16xf32>
      tpu.vector_store_idx %arg5[%shift_right_arithmetic3A_50, %and3A_53], %broadcast_in_dim3A_54 {add = true} : memref<79x128xf32, #tpu.memory_space<vmem>>[vector<16xi32>, vector<16xi32>], vector<16xf32>,
    }
    %scan3A_9 = arith.constant 632 : i32
    "tpu.region"() ({
      %run_scoped3A = tpu.sem_alloc : memref<!tpu.dma_semaphore, #tpu.memory_space<semaphore_mem>>
      %dma_start3A = arith.constant 0 : i32
      %dma_start3A_10 = arith.constant 0 : i32
      %dma_start3A_11 = tpu.memref_slice %arg3[%add3A, %dma_start3A, %dma_start3A_10] : memref<32x79x128xf32, #tpu.memory_space<hbm>> -> memref<1x79x128xf32, #tpu.memory_space<hbm>>
      %dma_start3A_12 = tpu.memref_squeeze %dma_start3A_11 : memref<1x79x128xf32, #tpu.memory_space<hbm>> -> memref<79x128xf32, #tpu.memory_space<hbm>>
      %dma_start3A_13 = arith.constant 0 : i32
      %dma_start3A_14 = arith.constant 0 : i32
      %dma_start3A_15 = tpu.memref_slice %arg3[%add3A, %dma_start3A_13, %dma_start3A_14] : memref<32x79x128xf32, #tpu.memory_space<hbm>> -> memref<1x79x128xf32, #tpu.memory_space<hbm>>
      %dma_start3A_16 = tpu.memref_squeeze %dma_start3A_15 : memref<1x79x128xf32, #tpu.memory_space<hbm>> -> memref<79x128xf32, #tpu.memory_space<hbm>>
      tpu.enqueue_dma source(%arg5 : memref<79x128xf32, #tpu.memory_space<vmem>>) target(%dma_start3A_16 : memref<79x128xf32, #tpu.memory_space<hbm>>) target_semaphore(%run_scoped3A : memref<!tpu.dma_semaphore, #tpu.memory_space<semaphore_mem>>)
      %dma_wait3A = arith.constant 0 : i32
      %dma_wait3A_17 = arith.constant 0 : i32
      %dma_wait3A_18 = tpu.memref_slice %arg3[%add3A, %dma_wait3A, %dma_wait3A_17] : memref<32x79x128xf32, #tpu.memory_space<hbm>> -> memref<1x79x128xf32, #tpu.memory_space<hbm>>
      %dma_wait3A_19 = tpu.memref_squeeze %dma_wait3A_18 : memref<1x79x128xf32, #tpu.memory_space<hbm>> -> memref<79x128xf32, #tpu.memory_space<hbm>>
      %dma_wait3A_20 = arith.constant 0 : i32
      %dma_wait3A_21 = arith.constant 0 : i32
      %dma_wait3A_22 = tpu.memref_slice %arg3[%add3A, %dma_wait3A_20, %dma_wait3A_21] : memref<32x79x128xf32, #tpu.memory_space<hbm>> -> memref<1x79x128xf32, #tpu.memory_space<hbm>>
      %dma_wait3A_23 = tpu.memref_squeeze %dma_wait3A_22 : memref<1x79x128xf32, #tpu.memory_space<hbm>> -> memref<79x128xf32, #tpu.memory_space<hbm>>
      tpu.wait_dma2 semaphore(%run_scoped3A : memref<!tpu.dma_semaphore, #tpu.memory_space<semaphore_mem>>) src(%arg5 : memref<79x128xf32, #tpu.memory_space<vmem>>) dst(%dma_wait3A_23 : memref<79x128xf32, #tpu.memory_space<hbm>>)
      tpu.yield
    }) : () -> ()
    return
  }
}

#map = affine_map<(d0, d1) -> (0, 0, 0)>
#map1 = affine_map<(d0, d1) -> (0, 0)>
module attributes {stable_mosaic.version = 14 : i64} {
  func.func @layerk(%arg0: i32, %arg1: i32, %arg2: memref<32x79x128xi32, #tpu.memory_space<hbm>>, %arg3: memref<32x79x128xi32, #tpu.memory_space<hbm>>, %arg4: memref<10000x128xf32, #tpu.memory_space<hbm>>, %arg5: memref<2x10000x128xf32, #tpu.memory_space<hbm>>, %arg6: memref<79x128xi32, #tpu.memory_space<vmem>>, %arg7: memref<79x128xi32, #tpu.memory_space<vmem>>, %arg8: memref<128x128xf32, #tpu.memory_space<vmem>>, %arg9: memref<10240x128xf32, #tpu.memory_space<vmem_shared>>) attributes {dimension_semantics = [#tpu.dimension_semantics<core_parallel>, #tpu.dimension_semantics<subcore_parallel>], iteration_bounds = array<i64: 2, 16>, scalar_prefetch = 0 : i64, scratch_operands = 4 : i64, tpu.core_type = #tpu.core_type<sc_vector_subcore>, window_params = [{transform_indices = #map}, {transform_indices = #map}, {transform_indices = #map1}, {transform_indices = #map}]} {
    %mul3A = arith.constant 16 : i32
    %mul3A_0 = arith.muli %arg0, %mul3A : i32
    %add3A = arith.addi %mul3A_0, %arg1 : i32
    "tpu.region"() ({
      %run_scoped3A = tpu.sem_alloc : memref<!tpu.dma_semaphore, #tpu.memory_space<semaphore_mem>>
      %dma_start3A = arith.constant 0 : i32
      %dma_start3A_29 = arith.constant 0 : i32
      %dma_start3A_30 = tpu.memref_slice %arg2[%add3A, %dma_start3A, %dma_start3A_29] : memref<32x79x128xi32, #tpu.memory_space<hbm>> -> memref<1x79x128xi32, #tpu.memory_space<hbm>>
      %dma_start3A_31 = tpu.memref_squeeze %dma_start3A_30 : memref<1x79x128xi32, #tpu.memory_space<hbm>> -> memref<79x128xi32, #tpu.memory_space<hbm>>
      %dma_start3A_32 = arith.constant 0 : i32
      %dma_start3A_33 = arith.constant 0 : i32
      %dma_start3A_34 = tpu.memref_slice %arg2[%add3A, %dma_start3A_32, %dma_start3A_33] : memref<32x79x128xi32, #tpu.memory_space<hbm>> -> memref<1x79x128xi32, #tpu.memory_space<hbm>>
      %dma_start3A_35 = tpu.memref_squeeze %dma_start3A_34 : memref<1x79x128xi32, #tpu.memory_space<hbm>> -> memref<79x128xi32, #tpu.memory_space<hbm>>
      tpu.enqueue_dma source(%dma_start3A_35 : memref<79x128xi32, #tpu.memory_space<hbm>>) target(%arg6 : memref<79x128xi32, #tpu.memory_space<vmem>>) target_semaphore(%run_scoped3A : memref<!tpu.dma_semaphore, #tpu.memory_space<semaphore_mem>>)
      %dma_wait3A = arith.constant 0 : i32
      %dma_wait3A_36 = arith.constant 0 : i32
      %dma_wait3A_37 = tpu.memref_slice %arg2[%add3A, %dma_wait3A, %dma_wait3A_36] : memref<32x79x128xi32, #tpu.memory_space<hbm>> -> memref<1x79x128xi32, #tpu.memory_space<hbm>>
      %dma_wait3A_38 = tpu.memref_squeeze %dma_wait3A_37 : memref<1x79x128xi32, #tpu.memory_space<hbm>> -> memref<79x128xi32, #tpu.memory_space<hbm>>
      %dma_wait3A_39 = arith.constant 0 : i32
      %dma_wait3A_40 = arith.constant 0 : i32
      %dma_wait3A_41 = tpu.memref_slice %arg2[%add3A, %dma_wait3A_39, %dma_wait3A_40] : memref<32x79x128xi32, #tpu.memory_space<hbm>> -> memref<1x79x128xi32, #tpu.memory_space<hbm>>
      %dma_wait3A_42 = tpu.memref_squeeze %dma_wait3A_41 : memref<1x79x128xi32, #tpu.memory_space<hbm>> -> memref<79x128xi32, #tpu.memory_space<hbm>>
      tpu.wait_dma2 semaphore(%run_scoped3A : memref<!tpu.dma_semaphore, #tpu.memory_space<semaphore_mem>>) src(%dma_wait3A_42 : memref<79x128xi32, #tpu.memory_space<hbm>>) dst(%arg6 : memref<79x128xi32, #tpu.memory_space<vmem>>)
      tpu.yield
    }) : () -> ()
    "tpu.region"() ({
      %run_scoped3A = tpu.sem_alloc : memref<!tpu.dma_semaphore, #tpu.memory_space<semaphore_mem>>
      %dma_start3A = arith.constant 0 : i32
      %dma_start3A_29 = arith.constant 0 : i32
      %dma_start3A_30 = tpu.memref_slice %arg3[%add3A, %dma_start3A, %dma_start3A_29] : memref<32x79x128xi32, #tpu.memory_space<hbm>> -> memref<1x79x128xi32, #tpu.memory_space<hbm>>
      %dma_start3A_31 = tpu.memref_squeeze %dma_start3A_30 : memref<1x79x128xi32, #tpu.memory_space<hbm>> -> memref<79x128xi32, #tpu.memory_space<hbm>>
      %dma_start3A_32 = arith.constant 0 : i32
      %dma_start3A_33 = arith.constant 0 : i32
      %dma_start3A_34 = tpu.memref_slice %arg3[%add3A, %dma_start3A_32, %dma_start3A_33] : memref<32x79x128xi32, #tpu.memory_space<hbm>> -> memref<1x79x128xi32, #tpu.memory_space<hbm>>
      %dma_start3A_35 = tpu.memref_squeeze %dma_start3A_34 : memref<1x79x128xi32, #tpu.memory_space<hbm>> -> memref<79x128xi32, #tpu.memory_space<hbm>>
      tpu.enqueue_dma source(%dma_start3A_35 : memref<79x128xi32, #tpu.memory_space<hbm>>) target(%arg7 : memref<79x128xi32, #tpu.memory_space<vmem>>) target_semaphore(%run_scoped3A : memref<!tpu.dma_semaphore, #tpu.memory_space<semaphore_mem>>)
      %dma_wait3A = arith.constant 0 : i32
      %dma_wait3A_36 = arith.constant 0 : i32
      %dma_wait3A_37 = tpu.memref_slice %arg3[%add3A, %dma_wait3A, %dma_wait3A_36] : memref<32x79x128xi32, #tpu.memory_space<hbm>> -> memref<1x79x128xi32, #tpu.memory_space<hbm>>
      %dma_wait3A_38 = tpu.memref_squeeze %dma_wait3A_37 : memref<1x79x128xi32, #tpu.memory_space<hbm>> -> memref<79x128xi32, #tpu.memory_space<hbm>>
      %dma_wait3A_39 = arith.constant 0 : i32
      %dma_wait3A_40 = arith.constant 0 : i32
      %dma_wait3A_41 = tpu.memref_slice %arg3[%add3A, %dma_wait3A_39, %dma_wait3A_40] : memref<32x79x128xi32, #tpu.memory_space<hbm>> -> memref<1x79x128xi32, #tpu.memory_space<hbm>>
      %dma_wait3A_42 = tpu.memref_squeeze %dma_wait3A_41 : memref<1x79x128xi32, #tpu.memory_space<hbm>> -> memref<79x128xi32, #tpu.memory_space<hbm>>
      tpu.wait_dma2 semaphore(%run_scoped3A : memref<!tpu.dma_semaphore, #tpu.memory_space<semaphore_mem>>) src(%dma_wait3A_42 : memref<79x128xi32, #tpu.memory_space<hbm>>) dst(%arg7 : memref<79x128xi32, #tpu.memory_space<vmem>>)
      tpu.yield
    }) : () -> ()
    %scan3A = arith.constant 0 : i32
    %scan3A_1 = arith.constant 1024 : i32
    %scan3A_2 = arith.addi %scan3A, %scan3A_1 : i32
    %scan3A_3 = arith.constant 1 : i32
    scf.for %scan3A_29 = %scan3A to %scan3A_2 step %scan3A_3  : i32 {
      %mul3A_30 = arith.constant 1 : i32
      %mul3A_31 = arith.muli %scan3A_29, %mul3A_30 : i32
      %add3A_32 = arith.constant 0 : i32
      %add3A_33 = arith.addi %add3A_32, %mul3A_31 : i32
      %jit3A = arith.constant 8 : i32
      %div3A = arith.divsi %add3A_33, %jit3A : i32
      %sign3A = arith.constant 0 : i32
      %sign3A_34 = arith.cmpi sgt, %add3A_33, %sign3A : i32
      %sign3A_35 = arith.extui %sign3A_34 : i1 to i32
      %sign3A_36 = arith.constant 0 : i32
      %sign3A_37 = arith.cmpi slt, %add3A_33, %sign3A_36 : i32
      %sign3A_38 = arith.extui %sign3A_37 : i1 to i32
      %sign3A_39 = arith.subi %sign3A_35, %sign3A_38 : i32
      %sign3A_40 = arith.constant 0 : i32
      %sign3A_41 = arith.cmpi sgt, %jit3A, %sign3A_40 : i32
      %sign3A_42 = arith.extui %sign3A_41 : i1 to i32
      %sign3A_43 = arith.constant 0 : i32
      %sign3A_44 = arith.cmpi slt, %jit3A, %sign3A_43 : i32
      %sign3A_45 = arith.extui %sign3A_44 : i1 to i32
      %sign3A_46 = arith.subi %sign3A_42, %sign3A_45 : i32
      %ne3A = arith.cmpi ne, %sign3A_39, %sign3A_46 : i32
      %rem3A = arith.remsi %add3A_33, %jit3A : i32
      %ne3A_47 = arith.constant 0 : i32
      %ne3A_48 = arith.cmpi ne, %rem3A, %ne3A_47 : i32
      %and3A = arith.andi %ne3A, %ne3A_48 : i1
      %sub3A = arith.constant 1 : i32
      %sub3A_49 = arith.subi %div3A, %sub3A : i32
      %select_n3A = arith.select %and3A, %sub3A_49, %div3A : i32
      %jit3A_50 = arith.constant 8 : i32
      %eq3A_51 = arith.constant 0 : i32
      %eq3A_52 = arith.cmpi eq, %jit3A_50, %eq3A_51 : i32
      %jit3A_53 = arith.constant 1 : i32
      %select_n3A_54 = arith.select %eq3A_52, %jit3A_53, %jit3A_50 : i32
      %rem3A_55 = arith.remsi %add3A_33, %select_n3A_54 : i32
      %ne3A_56 = arith.constant 0 : i32
      %ne3A_57 = arith.cmpi ne, %rem3A_55, %ne3A_56 : i32
      %lt3A_58 = arith.constant 0 : i32
      %lt3A_59 = arith.cmpi slt, %rem3A_55, %lt3A_58 : i32
      %lt3A_60 = arith.constant 0 : i32
      %lt3A_61 = arith.cmpi slt, %select_n3A_54, %lt3A_60 : i32
      %ne3A_62 = arith.xori %lt3A_59, %lt3A_61 : i1
      %and3A_63 = arith.andi %ne3A_62, %ne3A_57 : i1
      %add3A_64 = arith.addi %rem3A_55, %select_n3A_54 : i32
      %select_n3A_65 = arith.select %and3A_63, %add3A_64, %rem3A_55 : i32
      %broadcast_in_dim3A = arith.constant 0.000000e+00 : f32
      %broadcast_in_dim3A_66 = vector.broadcast %broadcast_in_dim3A : f32 to vector<16xf32>
      %mul3A_67 = arith.constant 16 : i32
      %mul3A_68 = arith.muli %select_n3A_65, %mul3A_67 : i32
      %swap3A = arith.index_cast %select_n3A : i32 to index
      %swap3A_69 = arith.index_cast %mul3A_68 : i32 to index
      %swap3A_70 = tpu.vector_load %arg8[%swap3A, %swap3A_69] {strides = array<i32>} : memref<128x128xf32, #tpu.memory_space<vmem>>, vector<1x16xf32>,
      %swap3A_71 = vector.shape_cast %swap3A_70 : vector<1x16xf32> to vector<16xf32>
      %swap3A_72 = vector.shape_cast %broadcast_in_dim3A_66 : vector<16xf32> to vector<1x16xf32>
      tpu.vector_store %arg8[%swap3A, %swap3A_69], %swap3A_72 {strides = array<i32>} : memref<128x128xf32, #tpu.memory_space<vmem>>, vector<1x16xf32>,
    }
    %scan3A_4 = arith.constant 1024 : i32
    %mul3A_5 = arith.constant 640 : i32
    %mul3A_6 = arith.muli %arg1, %mul3A_5 : i32
    %add3A_7 = arith.constant 0 : i32
    %add3A_8 = arith.addi %mul3A_6, %add3A_7 : i32
    "tpu.region"() ({
      %run_scoped3A = tpu.sem_alloc : memref<!tpu.dma_semaphore, #tpu.memory_space<semaphore_mem>>
      %dma_start3A = arith.constant 0 : i32
      %dma_start3A_29 = tpu.memref_slice %arg9[%add3A_8, %dma_start3A] : memref<10240x128xf32, #tpu.memory_space<vmem_shared>> -> memref<128x128xf32, #tpu.memory_space<vmem_shared>>
      %dma_start3A_30 = arith.constant 0 : i32
      %dma_start3A_31 = tpu.memref_slice %arg9[%add3A_8, %dma_start3A_30] : memref<10240x128xf32, #tpu.memory_space<vmem_shared>> -> memref<128x128xf32, #tpu.memory_space<vmem_shared>>
      tpu.enqueue_dma source(%arg8 : memref<128x128xf32, #tpu.memory_space<vmem>>) target(%dma_start3A_31 : memref<128x128xf32, #tpu.memory_space<vmem_shared>>) target_semaphore(%run_scoped3A : memref<!tpu.dma_semaphore, #tpu.memory_space<semaphore_mem>>)
      %dma_wait3A = arith.constant 0 : i32
      %dma_wait3A_32 = tpu.memref_slice %arg9[%add3A_8, %dma_wait3A] : memref<10240x128xf32, #tpu.memory_space<vmem_shared>> -> memref<128x128xf32, #tpu.memory_space<vmem_shared>>
      %dma_wait3A_33 = arith.constant 0 : i32
      %dma_wait3A_34 = tpu.memref_slice %arg9[%add3A_8, %dma_wait3A_33] : memref<10240x128xf32, #tpu.memory_space<vmem_shared>> -> memref<128x128xf32, #tpu.memory_space<vmem_shared>>
      tpu.wait_dma2 semaphore(%run_scoped3A : memref<!tpu.dma_semaphore, #tpu.memory_space<semaphore_mem>>) src(%arg8 : memref<128x128xf32, #tpu.memory_space<vmem>>) dst(%dma_wait3A_34 : memref<128x128xf32, #tpu.memory_space<vmem_shared>>)
      tpu.yield
    }) : () -> ()
    %add3A_9 = arith.constant 128 : i32
    %add3A_10 = arith.addi %mul3A_6, %add3A_9 : i32
    "tpu.region"() ({
      %run_scoped3A = tpu.sem_alloc : memref<!tpu.dma_semaphore, #tpu.memory_space<semaphore_mem>>
      %dma_start3A = arith.constant 0 : i32
      %dma_start3A_29 = tpu.memref_slice %arg9[%add3A_10, %dma_start3A] : memref<10240x128xf32, #tpu.memory_space<vmem_shared>> -> memref<128x128xf32, #tpu.memory_space<vmem_shared>>
      %dma_start3A_30 = arith.constant 0 : i32
      %dma_start3A_31 = tpu.memref_slice %arg9[%add3A_10, %dma_start3A_30] : memref<10240x128xf32, #tpu.memory_space<vmem_shared>> -> memref<128x128xf32, #tpu.memory_space<vmem_shared>>
      tpu.enqueue_dma source(%arg8 : memref<128x128xf32, #tpu.memory_space<vmem>>) target(%dma_start3A_31 : memref<128x128xf32, #tpu.memory_space<vmem_shared>>) target_semaphore(%run_scoped3A : memref<!tpu.dma_semaphore, #tpu.memory_space<semaphore_mem>>)
      %dma_wait3A = arith.constant 0 : i32
      %dma_wait3A_32 = tpu.memref_slice %arg9[%add3A_10, %dma_wait3A] : memref<10240x128xf32, #tpu.memory_space<vmem_shared>> -> memref<128x128xf32, #tpu.memory_space<vmem_shared>>
      %dma_wait3A_33 = arith.constant 0 : i32
      %dma_wait3A_34 = tpu.memref_slice %arg9[%add3A_10, %dma_wait3A_33] : memref<10240x128xf32, #tpu.memory_space<vmem_shared>> -> memref<128x128xf32, #tpu.memory_space<vmem_shared>>
      tpu.wait_dma2 semaphore(%run_scoped3A : memref<!tpu.dma_semaphore, #tpu.memory_space<semaphore_mem>>) src(%arg8 : memref<128x128xf32, #tpu.memory_space<vmem>>) dst(%dma_wait3A_34 : memref<128x128xf32, #tpu.memory_space<vmem_shared>>)
      tpu.yield
    }) : () -> ()
    %add3A_11 = arith.constant 256 : i32
    %add3A_12 = arith.addi %mul3A_6, %add3A_11 : i32
    "tpu.region"() ({
      %run_scoped3A = tpu.sem_alloc : memref<!tpu.dma_semaphore, #tpu.memory_space<semaphore_mem>>
      %dma_start3A = arith.constant 0 : i32
      %dma_start3A_29 = tpu.memref_slice %arg9[%add3A_12, %dma_start3A] : memref<10240x128xf32, #tpu.memory_space<vmem_shared>> -> memref<128x128xf32, #tpu.memory_space<vmem_shared>>
      %dma_start3A_30 = arith.constant 0 : i32
      %dma_start3A_31 = tpu.memref_slice %arg9[%add3A_12, %dma_start3A_30] : memref<10240x128xf32, #tpu.memory_space<vmem_shared>> -> memref<128x128xf32, #tpu.memory_space<vmem_shared>>
      tpu.enqueue_dma source(%arg8 : memref<128x128xf32, #tpu.memory_space<vmem>>) target(%dma_start3A_31 : memref<128x128xf32, #tpu.memory_space<vmem_shared>>) target_semaphore(%run_scoped3A : memref<!tpu.dma_semaphore, #tpu.memory_space<semaphore_mem>>)
      %dma_wait3A = arith.constant 0 : i32
      %dma_wait3A_32 = tpu.memref_slice %arg9[%add3A_12, %dma_wait3A] : memref<10240x128xf32, #tpu.memory_space<vmem_shared>> -> memref<128x128xf32, #tpu.memory_space<vmem_shared>>
      %dma_wait3A_33 = arith.constant 0 : i32
      %dma_wait3A_34 = tpu.memref_slice %arg9[%add3A_12, %dma_wait3A_33] : memref<10240x128xf32, #tpu.memory_space<vmem_shared>> -> memref<128x128xf32, #tpu.memory_space<vmem_shared>>
      tpu.wait_dma2 semaphore(%run_scoped3A : memref<!tpu.dma_semaphore, #tpu.memory_space<semaphore_mem>>) src(%arg8 : memref<128x128xf32, #tpu.memory_space<vmem>>) dst(%dma_wait3A_34 : memref<128x128xf32, #tpu.memory_space<vmem_shared>>)
      tpu.yield
    }) : () -> ()
    %add3A_13 = arith.constant 384 : i32
    %add3A_14 = arith.addi %mul3A_6, %add3A_13 : i32
    "tpu.region"() ({
      %run_scoped3A = tpu.sem_alloc : memref<!tpu.dma_semaphore, #tpu.memory_space<semaphore_mem>>
      %dma_start3A = arith.constant 0 : i32
      %dma_start3A_29 = tpu.memref_slice %arg9[%add3A_14, %dma_start3A] : memref<10240x128xf32, #tpu.memory_space<vmem_shared>> -> memref<128x128xf32, #tpu.memory_space<vmem_shared>>
      %dma_start3A_30 = arith.constant 0 : i32
      %dma_start3A_31 = tpu.memref_slice %arg9[%add3A_14, %dma_start3A_30] : memref<10240x128xf32, #tpu.memory_space<vmem_shared>> -> memref<128x128xf32, #tpu.memory_space<vmem_shared>>
      tpu.enqueue_dma source(%arg8 : memref<128x128xf32, #tpu.memory_space<vmem>>) target(%dma_start3A_31 : memref<128x128xf32, #tpu.memory_space<vmem_shared>>) target_semaphore(%run_scoped3A : memref<!tpu.dma_semaphore, #tpu.memory_space<semaphore_mem>>)
      %dma_wait3A = arith.constant 0 : i32
      %dma_wait3A_32 = tpu.memref_slice %arg9[%add3A_14, %dma_wait3A] : memref<10240x128xf32, #tpu.memory_space<vmem_shared>> -> memref<128x128xf32, #tpu.memory_space<vmem_shared>>
      %dma_wait3A_33 = arith.constant 0 : i32
      %dma_wait3A_34 = tpu.memref_slice %arg9[%add3A_14, %dma_wait3A_33] : memref<10240x128xf32, #tpu.memory_space<vmem_shared>> -> memref<128x128xf32, #tpu.memory_space<vmem_shared>>
      tpu.wait_dma2 semaphore(%run_scoped3A : memref<!tpu.dma_semaphore, #tpu.memory_space<semaphore_mem>>) src(%arg8 : memref<128x128xf32, #tpu.memory_space<vmem>>) dst(%dma_wait3A_34 : memref<128x128xf32, #tpu.memory_space<vmem_shared>>)
      tpu.yield
    }) : () -> ()
    %add3A_15 = arith.constant 512 : i32
    %add3A_16 = arith.addi %mul3A_6, %add3A_15 : i32
    "tpu.region"() ({
      %run_scoped3A = tpu.sem_alloc : memref<!tpu.dma_semaphore, #tpu.memory_space<semaphore_mem>>
      %dma_start3A = arith.constant 0 : i32
      %dma_start3A_29 = tpu.memref_slice %arg9[%add3A_16, %dma_start3A] : memref<10240x128xf32, #tpu.memory_space<vmem_shared>> -> memref<128x128xf32, #tpu.memory_space<vmem_shared>>
      %dma_start3A_30 = arith.constant 0 : i32
      %dma_start3A_31 = tpu.memref_slice %arg9[%add3A_16, %dma_start3A_30] : memref<10240x128xf32, #tpu.memory_space<vmem_shared>> -> memref<128x128xf32, #tpu.memory_space<vmem_shared>>
      tpu.enqueue_dma source(%arg8 : memref<128x128xf32, #tpu.memory_space<vmem>>) target(%dma_start3A_31 : memref<128x128xf32, #tpu.memory_space<vmem_shared>>) target_semaphore(%run_scoped3A : memref<!tpu.dma_semaphore, #tpu.memory_space<semaphore_mem>>)
      %dma_wait3A = arith.constant 0 : i32
      %dma_wait3A_32 = tpu.memref_slice %arg9[%add3A_16, %dma_wait3A] : memref<10240x128xf32, #tpu.memory_space<vmem_shared>> -> memref<128x128xf32, #tpu.memory_space<vmem_shared>>
      %dma_wait3A_33 = arith.constant 0 : i32
      %dma_wait3A_34 = tpu.memref_slice %arg9[%add3A_16, %dma_wait3A_33] : memref<10240x128xf32, #tpu.memory_space<vmem_shared>> -> memref<128x128xf32, #tpu.memory_space<vmem_shared>>
      tpu.wait_dma2 semaphore(%run_scoped3A : memref<!tpu.dma_semaphore, #tpu.memory_space<semaphore_mem>>) src(%arg8 : memref<128x128xf32, #tpu.memory_space<vmem>>) dst(%dma_wait3A_34 : memref<128x128xf32, #tpu.memory_space<vmem_shared>>)
      tpu.yield
    }) : () -> ()
    %barrier3A = arith.constant 0 : index
    tpu.barrier barrier_id(%barrier3A)
    %scan3A_17 = arith.constant 0 : i32
    %scan3A_18 = arith.constant 79 : i32
    %scan3A_19 = arith.addi %scan3A_17, %scan3A_18 : i32
    %scan3A_20 = arith.constant 1 : i32
    scf.for %scan3A_29 = %scan3A_17 to %scan3A_19 step %scan3A_20  : i32 {
      %mul3A_30 = arith.constant 1 : i32
      %mul3A_31 = arith.muli %scan3A_29, %mul3A_30 : i32
      %add3A_32 = arith.constant 0 : i32
      %add3A_33 = arith.addi %add3A_32, %mul3A_31 : i32
      "tpu.region"() ({
        %run_scoped3A = tpu.sem_alloc : memref<!tpu.dma_semaphore, #tpu.memory_space<semaphore_mem>>
        %dma_start3A = arith.constant 0 : i32
        %dma_start3A_34 = tpu.memref_slice %arg6[%add3A_33, %dma_start3A] : memref<79x128xi32, #tpu.memory_space<vmem>> -> memref<1x128xi32, #tpu.memory_space<vmem>>
        %dma_start3A_35 = tpu.memref_squeeze %dma_start3A_34 : memref<1x128xi32, #tpu.memory_space<vmem>> -> memref<128xi32, #tpu.memory_space<vmem>>
        %dma_start3A_36 = arith.constant 0 : i32
        %dma_start3A_37 = arith.constant 0 : i32
        %dma_start3A_38 = tpu.memref_slice %arg4[%dma_start3A_36, %dma_start3A_37] : memref<10000x128xf32, #tpu.memory_space<hbm>> -> memref<10000x128xf32, #tpu.memory_space<hbm>>
        tpu.enqueue_indirect_dma source(%dma_start3A_38 : memref<10000x128xf32, #tpu.memory_space<hbm>>) target(%arg8 : memref<128x128xf32, #tpu.memory_space<vmem>>) offsets(%dma_start3A_35 : memref<128xi32, #tpu.memory_space<vmem>>) semaphore(%run_scoped3A : memref<!tpu.dma_semaphore, #tpu.memory_space<semaphore_mem>>)
        %dma_wait3A = arith.constant 0 : i32
        %dma_wait3A_39 = tpu.memref_slice %arg6[%add3A_33, %dma_wait3A] : memref<79x128xi32, #tpu.memory_space<vmem>> -> memref<1x128xi32, #tpu.memory_space<vmem>>
        %dma_wait3A_40 = tpu.memref_squeeze %dma_wait3A_39 : memref<1x128xi32, #tpu.memory_space<vmem>> -> memref<128xi32, #tpu.memory_space<vmem>>
        %dma_wait3A_41 = arith.constant 0 : i32
        %dma_wait3A_42 = arith.constant 0 : i32
        %dma_wait3A_43 = tpu.memref_slice %arg4[%dma_wait3A_41, %dma_wait3A_42] : memref<10000x128xf32, #tpu.memory_space<hbm>> -> memref<10000x128xf32, #tpu.memory_space<hbm>>
        tpu.wait_indirect_dma semaphore(%run_scoped3A : memref<!tpu.dma_semaphore, #tpu.memory_space<semaphore_mem>>) src(%dma_wait3A_43 : memref<10000x128xf32, #tpu.memory_space<hbm>>) dst(%arg8 : memref<128x128xf32, #tpu.memory_space<vmem>>)
        tpu.yield
      }) : () -> ()
      "tpu.region"() ({
        %run_scoped3A = tpu.sem_alloc : memref<!tpu.dma_semaphore, #tpu.memory_space<semaphore_mem>>
        %dma_start3A = arith.constant 0 : i32
        %dma_start3A_34 = tpu.memref_slice %arg7[%add3A_33, %dma_start3A] : memref<79x128xi32, #tpu.memory_space<vmem>> -> memref<1x128xi32, #tpu.memory_space<vmem>>
        %dma_start3A_35 = tpu.memref_squeeze %dma_start3A_34 : memref<1x128xi32, #tpu.memory_space<vmem>> -> memref<128xi32, #tpu.memory_space<vmem>>
        %dma_start3A_36 = arith.constant 0 : i32
        %dma_start3A_37 = arith.constant 0 : i32
        %dma_start3A_38 = tpu.memref_slice %arg9[%dma_start3A_36, %dma_start3A_37] : memref<10240x128xf32, #tpu.memory_space<vmem_shared>> -> memref<10240x128xf32, #tpu.memory_space<vmem_shared>>
        tpu.enqueue_indirect_dma source(%arg8 : memref<128x128xf32, #tpu.memory_space<vmem>>) target(%dma_start3A_38 : memref<10240x128xf32, #tpu.memory_space<vmem_shared>>) offsets(%dma_start3A_35 : memref<128xi32, #tpu.memory_space<vmem>>) semaphore(%run_scoped3A : memref<!tpu.dma_semaphore, #tpu.memory_space<semaphore_mem>>) {add = true}
        %dma_wait3A = arith.constant 0 : i32
        %dma_wait3A_39 = tpu.memref_slice %arg7[%add3A_33, %dma_wait3A] : memref<79x128xi32, #tpu.memory_space<vmem>> -> memref<1x128xi32, #tpu.memory_space<vmem>>
        %dma_wait3A_40 = tpu.memref_squeeze %dma_wait3A_39 : memref<1x128xi32, #tpu.memory_space<vmem>> -> memref<128xi32, #tpu.memory_space<vmem>>
        %dma_wait3A_41 = arith.constant 0 : i32
        %dma_wait3A_42 = arith.constant 0 : i32
        %dma_wait3A_43 = tpu.memref_slice %arg9[%dma_wait3A_41, %dma_wait3A_42] : memref<10240x128xf32, #tpu.memory_space<vmem_shared>> -> memref<10240x128xf32, #tpu.memory_space<vmem_shared>>
        tpu.wait_indirect_dma semaphore(%run_scoped3A : memref<!tpu.dma_semaphore, #tpu.memory_space<semaphore_mem>>) src(%arg8 : memref<128x128xf32, #tpu.memory_space<vmem>>) dst(%dma_wait3A_43 : memref<10240x128xf32, #tpu.memory_space<vmem_shared>>)
        tpu.yield
      }) : () -> ()
    }
    %scan3A_21 = arith.constant 79 : i32
    %barrier3A_22 = arith.constant 0 : index
    tpu.barrier barrier_id(%barrier3A_22)
    %lt3A = arith.constant 15 : i32
    %lt3A_23 = arith.cmpi slt, %arg1, %lt3A : i32
    %convert_element_type3A = arith.extui %lt3A_23 : i1 to i32
    %cond3A = arith.constant 0 : i32
    %cond3A_24 = arith.cmpi ne, %convert_element_type3A, %cond3A : i32
    scf.if %cond3A_24 {
      "tpu.region"() ({
        %run_scoped3A = tpu.sem_alloc : memref<!tpu.dma_semaphore, #tpu.memory_space<semaphore_mem>>
        %dma_start3A = arith.constant 0 : i32
        %dma_start3A_29 = tpu.memref_slice %arg5[%arg0, %mul3A_6, %dma_start3A] : memref<2x10000x128xf32, #tpu.memory_space<hbm>> -> memref<1x640x128xf32, #tpu.memory_space<hbm>>
        %dma_start3A_30 = tpu.memref_squeeze %dma_start3A_29 : memref<1x640x128xf32, #tpu.memory_space<hbm>> -> memref<640x128xf32, #tpu.memory_space<hbm>>
        %dma_start3A_31 = arith.constant 0 : i32
        %dma_start3A_32 = tpu.memref_slice %arg9[%mul3A_6, %dma_start3A_31] : memref<10240x128xf32, #tpu.memory_space<vmem_shared>> -> memref<640x128xf32, #tpu.memory_space<vmem_shared>>
        tpu.enqueue_dma source(%dma_start3A_32 : memref<640x128xf32, #tpu.memory_space<vmem_shared>>) target(%dma_start3A_30 : memref<640x128xf32, #tpu.memory_space<hbm>>) target_semaphore(%run_scoped3A : memref<!tpu.dma_semaphore, #tpu.memory_space<semaphore_mem>>)
        %dma_wait3A = arith.constant 0 : i32
        %dma_wait3A_33 = tpu.memref_slice %arg5[%arg0, %mul3A_6, %dma_wait3A] : memref<2x10000x128xf32, #tpu.memory_space<hbm>> -> memref<1x640x128xf32, #tpu.memory_space<hbm>>
        %dma_wait3A_34 = tpu.memref_squeeze %dma_wait3A_33 : memref<1x640x128xf32, #tpu.memory_space<hbm>> -> memref<640x128xf32, #tpu.memory_space<hbm>>
        %dma_wait3A_35 = arith.constant 0 : i32
        %dma_wait3A_36 = tpu.memref_slice %arg9[%mul3A_6, %dma_wait3A_35] : memref<10240x128xf32, #tpu.memory_space<vmem_shared>> -> memref<640x128xf32, #tpu.memory_space<vmem_shared>>
        tpu.wait_dma2 semaphore(%run_scoped3A : memref<!tpu.dma_semaphore, #tpu.memory_space<semaphore_mem>>) src(%dma_wait3A_36 : memref<640x128xf32, #tpu.memory_space<vmem_shared>>) dst(%dma_wait3A_34 : memref<640x128xf32, #tpu.memory_space<hbm>>)
        tpu.yield
      }) : () -> ()
    } else {
    }
    %eq3A = arith.constant 15 : i32
    %eq3A_25 = arith.cmpi eq, %arg1, %eq3A : i32
    %convert_element_type3A_26 = arith.extui %eq3A_25 : i1 to i32
    %cond3A_27 = arith.constant 0 : i32
    %cond3A_28 = arith.cmpi ne, %convert_element_type3A_26, %cond3A_27 : i32
    scf.if %cond3A_28 {
      "tpu.region"() ({
        %run_scoped3A = tpu.sem_alloc : memref<!tpu.dma_semaphore, #tpu.memory_space<semaphore_mem>>
        %dma_start3A = arith.constant 9600 : i32
        %dma_start3A_29 = arith.constant 0 : i32
        %dma_start3A_30 = tpu.memref_slice %arg5[%arg0, %dma_start3A, %dma_start3A_29] : memref<2x10000x128xf32, #tpu.memory_space<hbm>> -> memref<1x400x128xf32, #tpu.memory_space<hbm>>
        %dma_start3A_31 = tpu.memref_squeeze %dma_start3A_30 : memref<1x400x128xf32, #tpu.memory_space<hbm>> -> memref<400x128xf32, #tpu.memory_space<hbm>>
        %dma_start3A_32 = arith.constant 9600 : i32
        %dma_start3A_33 = arith.constant 0 : i32
        %dma_start3A_34 = tpu.memref_slice %arg9[%dma_start3A_32, %dma_start3A_33] : memref<10240x128xf32, #tpu.memory_space<vmem_shared>> -> memref<400x128xf32, #tpu.memory_space<vmem_shared>>
        tpu.enqueue_dma source(%dma_start3A_34 : memref<400x128xf32, #tpu.memory_space<vmem_shared>>) target(%dma_start3A_31 : memref<400x128xf32, #tpu.memory_space<hbm>>) target_semaphore(%run_scoped3A : memref<!tpu.dma_semaphore, #tpu.memory_space<semaphore_mem>>)
        %dma_wait3A = arith.constant 9600 : i32
        %dma_wait3A_35 = arith.constant 0 : i32
        %dma_wait3A_36 = tpu.memref_slice %arg5[%arg0, %dma_wait3A, %dma_wait3A_35] : memref<2x10000x128xf32, #tpu.memory_space<hbm>> -> memref<1x400x128xf32, #tpu.memory_space<hbm>>
        %dma_wait3A_37 = tpu.memref_squeeze %dma_wait3A_36 : memref<1x400x128xf32, #tpu.memory_space<hbm>> -> memref<400x128xf32, #tpu.memory_space<hbm>>
        %dma_wait3A_38 = arith.constant 9600 : i32
        %dma_wait3A_39 = arith.constant 0 : i32
        %dma_wait3A_40 = tpu.memref_slice %arg9[%dma_wait3A_38, %dma_wait3A_39] : memref<10240x128xf32, #tpu.memory_space<vmem_shared>> -> memref<400x128xf32, #tpu.memory_space<vmem_shared>>
        tpu.wait_dma2 semaphore(%run_scoped3A : memref<!tpu.dma_semaphore, #tpu.memory_space<semaphore_mem>>) src(%dma_wait3A_40 : memref<400x128xf32, #tpu.memory_space<vmem_shared>>) dst(%dma_wait3A_37 : memref<400x128xf32, #tpu.memory_space<hbm>>)
        tpu.yield
      }) : () -> ()
    } else {
    }
    return
  }
}

#map = affine_map<(d0, d1) -> (0, 0, 0)>
#map1 = affine_map<(d0, d1) -> (0, 0)>
module attributes {stable_mosaic.version = 14 : i64} {
  func.func @layerk(%arg0: i32, %arg1: i32, %arg2: memref<32x79x128xi32, #tpu.memory_space<hbm>>, %arg3: memref<32x79x128xi32, #tpu.memory_space<hbm>>, %arg4: memref<10000x128xf32, #tpu.memory_space<hbm>>, %arg5: memref<2x10000x128xf32, #tpu.memory_space<hbm>>, %arg6: memref<79x128xi32, #tpu.memory_space<vmem>>, %arg7: memref<79x128xi32, #tpu.memory_space<vmem>>, %arg8: memref<128x128xf32, #tpu.memory_space<vmem>>, %arg9: memref<10240x128xf32, #tpu.memory_space<vmem_shared>>) attributes {dimension_semantics = [#tpu.dimension_semantics<core_parallel>, #tpu.dimension_semantics<subcore_parallel>], iteration_bounds = array<i64: 2, 16>, scalar_prefetch = 0 : i64, scratch_operands = 4 : i64, tpu.core_type = #tpu.core_type<sc_vector_subcore>, window_params = [{transform_indices = #map}, {transform_indices = #map}, {transform_indices = #map1}, {transform_indices = #map}]} {
    %mul3A = arith.constant 16 : i32
    %mul3A_0 = arith.muli %arg0, %mul3A : i32
    %add3A = arith.addi %mul3A_0, %arg1 : i32
    "tpu.region"() ({
      %run_scoped3A = tpu.sem_alloc : memref<!tpu.dma_semaphore, #tpu.memory_space<semaphore_mem>>
      %dma_start3A = arith.constant 0 : i32
      %dma_start3A_29 = arith.constant 0 : i32
      %dma_start3A_30 = tpu.memref_slice %arg2[%add3A, %dma_start3A, %dma_start3A_29] : memref<32x79x128xi32, #tpu.memory_space<hbm>> -> memref<1x79x128xi32, #tpu.memory_space<hbm>>
      %dma_start3A_31 = tpu.memref_squeeze %dma_start3A_30 : memref<1x79x128xi32, #tpu.memory_space<hbm>> -> memref<79x128xi32, #tpu.memory_space<hbm>>
      %dma_start3A_32 = arith.constant 0 : i32
      %dma_start3A_33 = arith.constant 0 : i32
      %dma_start3A_34 = tpu.memref_slice %arg2[%add3A, %dma_start3A_32, %dma_start3A_33] : memref<32x79x128xi32, #tpu.memory_space<hbm>> -> memref<1x79x128xi32, #tpu.memory_space<hbm>>
      %dma_start3A_35 = tpu.memref_squeeze %dma_start3A_34 : memref<1x79x128xi32, #tpu.memory_space<hbm>> -> memref<79x128xi32, #tpu.memory_space<hbm>>
      tpu.enqueue_dma source(%dma_start3A_35 : memref<79x128xi32, #tpu.memory_space<hbm>>) target(%arg6 : memref<79x128xi32, #tpu.memory_space<vmem>>) target_semaphore(%run_scoped3A : memref<!tpu.dma_semaphore, #tpu.memory_space<semaphore_mem>>)
      %dma_wait3A = arith.constant 0 : i32
      %dma_wait3A_36 = arith.constant 0 : i32
      %dma_wait3A_37 = tpu.memref_slice %arg2[%add3A, %dma_wait3A, %dma_wait3A_36] : memref<32x79x128xi32, #tpu.memory_space<hbm>> -> memref<1x79x128xi32, #tpu.memory_space<hbm>>
      %dma_wait3A_38 = tpu.memref_squeeze %dma_wait3A_37 : memref<1x79x128xi32, #tpu.memory_space<hbm>> -> memref<79x128xi32, #tpu.memory_space<hbm>>
      %dma_wait3A_39 = arith.constant 0 : i32
      %dma_wait3A_40 = arith.constant 0 : i32
      %dma_wait3A_41 = tpu.memref_slice %arg2[%add3A, %dma_wait3A_39, %dma_wait3A_40] : memref<32x79x128xi32, #tpu.memory_space<hbm>> -> memref<1x79x128xi32, #tpu.memory_space<hbm>>
      %dma_wait3A_42 = tpu.memref_squeeze %dma_wait3A_41 : memref<1x79x128xi32, #tpu.memory_space<hbm>> -> memref<79x128xi32, #tpu.memory_space<hbm>>
      tpu.wait_dma2 semaphore(%run_scoped3A : memref<!tpu.dma_semaphore, #tpu.memory_space<semaphore_mem>>) src(%dma_wait3A_42 : memref<79x128xi32, #tpu.memory_space<hbm>>) dst(%arg6 : memref<79x128xi32, #tpu.memory_space<vmem>>)
      tpu.yield
    }) : () -> ()
    "tpu.region"() ({
      %run_scoped3A = tpu.sem_alloc : memref<!tpu.dma_semaphore, #tpu.memory_space<semaphore_mem>>
      %dma_start3A = arith.constant 0 : i32
      %dma_start3A_29 = arith.constant 0 : i32
      %dma_start3A_30 = tpu.memref_slice %arg3[%add3A, %dma_start3A, %dma_start3A_29] : memref<32x79x128xi32, #tpu.memory_space<hbm>> -> memref<1x79x128xi32, #tpu.memory_space<hbm>>
      %dma_start3A_31 = tpu.memref_squeeze %dma_start3A_30 : memref<1x79x128xi32, #tpu.memory_space<hbm>> -> memref<79x128xi32, #tpu.memory_space<hbm>>
      %dma_start3A_32 = arith.constant 0 : i32
      %dma_start3A_33 = arith.constant 0 : i32
      %dma_start3A_34 = tpu.memref_slice %arg3[%add3A, %dma_start3A_32, %dma_start3A_33] : memref<32x79x128xi32, #tpu.memory_space<hbm>> -> memref<1x79x128xi32, #tpu.memory_space<hbm>>
      %dma_start3A_35 = tpu.memref_squeeze %dma_start3A_34 : memref<1x79x128xi32, #tpu.memory_space<hbm>> -> memref<79x128xi32, #tpu.memory_space<hbm>>
      tpu.enqueue_dma source(%dma_start3A_35 : memref<79x128xi32, #tpu.memory_space<hbm>>) target(%arg7 : memref<79x128xi32, #tpu.memory_space<vmem>>) target_semaphore(%run_scoped3A : memref<!tpu.dma_semaphore, #tpu.memory_space<semaphore_mem>>)
      %dma_wait3A = arith.constant 0 : i32
      %dma_wait3A_36 = arith.constant 0 : i32
      %dma_wait3A_37 = tpu.memref_slice %arg3[%add3A, %dma_wait3A, %dma_wait3A_36] : memref<32x79x128xi32, #tpu.memory_space<hbm>> -> memref<1x79x128xi32, #tpu.memory_space<hbm>>
      %dma_wait3A_38 = tpu.memref_squeeze %dma_wait3A_37 : memref<1x79x128xi32, #tpu.memory_space<hbm>> -> memref<79x128xi32, #tpu.memory_space<hbm>>
      %dma_wait3A_39 = arith.constant 0 : i32
      %dma_wait3A_40 = arith.constant 0 : i32
      %dma_wait3A_41 = tpu.memref_slice %arg3[%add3A, %dma_wait3A_39, %dma_wait3A_40] : memref<32x79x128xi32, #tpu.memory_space<hbm>> -> memref<1x79x128xi32, #tpu.memory_space<hbm>>
      %dma_wait3A_42 = tpu.memref_squeeze %dma_wait3A_41 : memref<1x79x128xi32, #tpu.memory_space<hbm>> -> memref<79x128xi32, #tpu.memory_space<hbm>>
      tpu.wait_dma2 semaphore(%run_scoped3A : memref<!tpu.dma_semaphore, #tpu.memory_space<semaphore_mem>>) src(%dma_wait3A_42 : memref<79x128xi32, #tpu.memory_space<hbm>>) dst(%arg7 : memref<79x128xi32, #tpu.memory_space<vmem>>)
      tpu.yield
    }) : () -> ()
    %scan3A = arith.constant 0 : i32
    %scan3A_1 = arith.constant 1024 : i32
    %scan3A_2 = arith.addi %scan3A, %scan3A_1 : i32
    %scan3A_3 = arith.constant 1 : i32
    scf.for %scan3A_29 = %scan3A to %scan3A_2 step %scan3A_3  : i32 {
      %mul3A_30 = arith.constant 1 : i32
      %mul3A_31 = arith.muli %scan3A_29, %mul3A_30 : i32
      %add3A_32 = arith.constant 0 : i32
      %add3A_33 = arith.addi %add3A_32, %mul3A_31 : i32
      %jit3A = arith.constant 8 : i32
      %div3A = arith.divsi %add3A_33, %jit3A : i32
      %sign3A = arith.constant 0 : i32
      %sign3A_34 = arith.cmpi sgt, %add3A_33, %sign3A : i32
      %sign3A_35 = arith.extui %sign3A_34 : i1 to i32
      %sign3A_36 = arith.constant 0 : i32
      %sign3A_37 = arith.cmpi slt, %add3A_33, %sign3A_36 : i32
      %sign3A_38 = arith.extui %sign3A_37 : i1 to i32
      %sign3A_39 = arith.subi %sign3A_35, %sign3A_38 : i32
      %sign3A_40 = arith.constant 0 : i32
      %sign3A_41 = arith.cmpi sgt, %jit3A, %sign3A_40 : i32
      %sign3A_42 = arith.extui %sign3A_41 : i1 to i32
      %sign3A_43 = arith.constant 0 : i32
      %sign3A_44 = arith.cmpi slt, %jit3A, %sign3A_43 : i32
      %sign3A_45 = arith.extui %sign3A_44 : i1 to i32
      %sign3A_46 = arith.subi %sign3A_42, %sign3A_45 : i32
      %ne3A = arith.cmpi ne, %sign3A_39, %sign3A_46 : i32
      %rem3A = arith.remsi %add3A_33, %jit3A : i32
      %ne3A_47 = arith.constant 0 : i32
      %ne3A_48 = arith.cmpi ne, %rem3A, %ne3A_47 : i32
      %and3A = arith.andi %ne3A, %ne3A_48 : i1
      %sub3A = arith.constant 1 : i32
      %sub3A_49 = arith.subi %div3A, %sub3A : i32
      %select_n3A = arith.select %and3A, %sub3A_49, %div3A : i32
      %jit3A_50 = arith.constant 8 : i32
      %eq3A_51 = arith.constant 0 : i32
      %eq3A_52 = arith.cmpi eq, %jit3A_50, %eq3A_51 : i32
      %jit3A_53 = arith.constant 1 : i32
      %select_n3A_54 = arith.select %eq3A_52, %jit3A_53, %jit3A_50 : i32
      %rem3A_55 = arith.remsi %add3A_33, %select_n3A_54 : i32
      %ne3A_56 = arith.constant 0 : i32
      %ne3A_57 = arith.cmpi ne, %rem3A_55, %ne3A_56 : i32
      %lt3A_58 = arith.constant 0 : i32
      %lt3A_59 = arith.cmpi slt, %rem3A_55, %lt3A_58 : i32
      %lt3A_60 = arith.constant 0 : i32
      %lt3A_61 = arith.cmpi slt, %select_n3A_54, %lt3A_60 : i32
      %ne3A_62 = arith.xori %lt3A_59, %lt3A_61 : i1
      %and3A_63 = arith.andi %ne3A_62, %ne3A_57 : i1
      %add3A_64 = arith.addi %rem3A_55, %select_n3A_54 : i32
      %select_n3A_65 = arith.select %and3A_63, %add3A_64, %rem3A_55 : i32
      %broadcast_in_dim3A = arith.constant 0.000000e+00 : f32
      %broadcast_in_dim3A_66 = vector.broadcast %broadcast_in_dim3A : f32 to vector<16xf32>
      %mul3A_67 = arith.constant 16 : i32
      %mul3A_68 = arith.muli %select_n3A_65, %mul3A_67 : i32
      %swap3A = arith.index_cast %select_n3A : i32 to index
      %swap3A_69 = arith.index_cast %mul3A_68 : i32 to index
      %swap3A_70 = tpu.vector_load %arg8[%swap3A, %swap3A_69] {strides = array<i32>} : memref<128x128xf32, #tpu.memory_space<vmem>>, vector<1x16xf32>,
      %swap3A_71 = vector.shape_cast %swap3A_70 : vector<1x16xf32> to vector<16xf32>
      %swap3A_72 = vector.shape_cast %broadcast_in_dim3A_66 : vector<16xf32> to vector<1x16xf32>
      tpu.vector_store %arg8[%swap3A, %swap3A_69], %swap3A_72 {strides = array<i32>} : memref<128x128xf32, #tpu.memory_space<vmem>>, vector<1x16xf32>,
    }
    %scan3A_4 = arith.constant 1024 : i32
    %mul3A_5 = arith.constant 640 : i32
    %mul3A_6 = arith.muli %arg1, %mul3A_5 : i32
    %add3A_7 = arith.constant 0 : i32
    %add3A_8 = arith.addi %mul3A_6, %add3A_7 : i32
    "tpu.region"() ({
      %run_scoped3A = tpu.sem_alloc : memref<!tpu.dma_semaphore, #tpu.memory_space<semaphore_mem>>
      %dma_start3A = arith.constant 0 : i32
      %dma_start3A_29 = tpu.memref_slice %arg9[%add3A_8, %dma_start3A] : memref<10240x128xf32, #tpu.memory_space<vmem_shared>> -> memref<128x128xf32, #tpu.memory_space<vmem_shared>>
      %dma_start3A_30 = arith.constant 0 : i32
      %dma_start3A_31 = tpu.memref_slice %arg9[%add3A_8, %dma_start3A_30] : memref<10240x128xf32, #tpu.memory_space<vmem_shared>> -> memref<128x128xf32, #tpu.memory_space<vmem_shared>>
      tpu.enqueue_dma source(%arg8 : memref<128x128xf32, #tpu.memory_space<vmem>>) target(%dma_start3A_31 : memref<128x128xf32, #tpu.memory_space<vmem_shared>>) target_semaphore(%run_scoped3A : memref<!tpu.dma_semaphore, #tpu.memory_space<semaphore_mem>>)
      %dma_wait3A = arith.constant 0 : i32
      %dma_wait3A_32 = tpu.memref_slice %arg9[%add3A_8, %dma_wait3A] : memref<10240x128xf32, #tpu.memory_space<vmem_shared>> -> memref<128x128xf32, #tpu.memory_space<vmem_shared>>
      %dma_wait3A_33 = arith.constant 0 : i32
      %dma_wait3A_34 = tpu.memref_slice %arg9[%add3A_8, %dma_wait3A_33] : memref<10240x128xf32, #tpu.memory_space<vmem_shared>> -> memref<128x128xf32, #tpu.memory_space<vmem_shared>>
      tpu.wait_dma2 semaphore(%run_scoped3A : memref<!tpu.dma_semaphore, #tpu.memory_space<semaphore_mem>>) src(%arg8 : memref<128x128xf32, #tpu.memory_space<vmem>>) dst(%dma_wait3A_34 : memref<128x128xf32, #tpu.memory_space<vmem_shared>>)
      tpu.yield
    }) : () -> ()
    %add3A_9 = arith.constant 128 : i32
    %add3A_10 = arith.addi %mul3A_6, %add3A_9 : i32
    "tpu.region"() ({
      %run_scoped3A = tpu.sem_alloc : memref<!tpu.dma_semaphore, #tpu.memory_space<semaphore_mem>>
      %dma_start3A = arith.constant 0 : i32
      %dma_start3A_29 = tpu.memref_slice %arg9[%add3A_10, %dma_start3A] : memref<10240x128xf32, #tpu.memory_space<vmem_shared>> -> memref<128x128xf32, #tpu.memory_space<vmem_shared>>
      %dma_start3A_30 = arith.constant 0 : i32
      %dma_start3A_31 = tpu.memref_slice %arg9[%add3A_10, %dma_start3A_30] : memref<10240x128xf32, #tpu.memory_space<vmem_shared>> -> memref<128x128xf32, #tpu.memory_space<vmem_shared>>
      tpu.enqueue_dma source(%arg8 : memref<128x128xf32, #tpu.memory_space<vmem>>) target(%dma_start3A_31 : memref<128x128xf32, #tpu.memory_space<vmem_shared>>) target_semaphore(%run_scoped3A : memref<!tpu.dma_semaphore, #tpu.memory_space<semaphore_mem>>)
      %dma_wait3A = arith.constant 0 : i32
      %dma_wait3A_32 = tpu.memref_slice %arg9[%add3A_10, %dma_wait3A] : memref<10240x128xf32, #tpu.memory_space<vmem_shared>> -> memref<128x128xf32, #tpu.memory_space<vmem_shared>>
      %dma_wait3A_33 = arith.constant 0 : i32
      %dma_wait3A_34 = tpu.memref_slice %arg9[%add3A_10, %dma_wait3A_33] : memref<10240x128xf32, #tpu.memory_space<vmem_shared>> -> memref<128x128xf32, #tpu.memory_space<vmem_shared>>
      tpu.wait_dma2 semaphore(%run_scoped3A : memref<!tpu.dma_semaphore, #tpu.memory_space<semaphore_mem>>) src(%arg8 : memref<128x128xf32, #tpu.memory_space<vmem>>) dst(%dma_wait3A_34 : memref<128x128xf32, #tpu.memory_space<vmem_shared>>)
      tpu.yield
    }) : () -> ()
    %add3A_11 = arith.constant 256 : i32
    %add3A_12 = arith.addi %mul3A_6, %add3A_11 : i32
    "tpu.region"() ({
      %run_scoped3A = tpu.sem_alloc : memref<!tpu.dma_semaphore, #tpu.memory_space<semaphore_mem>>
      %dma_start3A = arith.constant 0 : i32
      %dma_start3A_29 = tpu.memref_slice %arg9[%add3A_12, %dma_start3A] : memref<10240x128xf32, #tpu.memory_space<vmem_shared>> -> memref<128x128xf32, #tpu.memory_space<vmem_shared>>
      %dma_start3A_30 = arith.constant 0 : i32
      %dma_start3A_31 = tpu.memref_slice %arg9[%add3A_12, %dma_start3A_30] : memref<10240x128xf32, #tpu.memory_space<vmem_shared>> -> memref<128x128xf32, #tpu.memory_space<vmem_shared>>
      tpu.enqueue_dma source(%arg8 : memref<128x128xf32, #tpu.memory_space<vmem>>) target(%dma_start3A_31 : memref<128x128xf32, #tpu.memory_space<vmem_shared>>) target_semaphore(%run_scoped3A : memref<!tpu.dma_semaphore, #tpu.memory_space<semaphore_mem>>)
      %dma_wait3A = arith.constant 0 : i32
      %dma_wait3A_32 = tpu.memref_slice %arg9[%add3A_12, %dma_wait3A] : memref<10240x128xf32, #tpu.memory_space<vmem_shared>> -> memref<128x128xf32, #tpu.memory_space<vmem_shared>>
      %dma_wait3A_33 = arith.constant 0 : i32
      %dma_wait3A_34 = tpu.memref_slice %arg9[%add3A_12, %dma_wait3A_33] : memref<10240x128xf32, #tpu.memory_space<vmem_shared>> -> memref<128x128xf32, #tpu.memory_space<vmem_shared>>
      tpu.wait_dma2 semaphore(%run_scoped3A : memref<!tpu.dma_semaphore, #tpu.memory_space<semaphore_mem>>) src(%arg8 : memref<128x128xf32, #tpu.memory_space<vmem>>) dst(%dma_wait3A_34 : memref<128x128xf32, #tpu.memory_space<vmem_shared>>)
      tpu.yield
    }) : () -> ()
    %add3A_13 = arith.constant 384 : i32
    %add3A_14 = arith.addi %mul3A_6, %add3A_13 : i32
    "tpu.region"() ({
      %run_scoped3A = tpu.sem_alloc : memref<!tpu.dma_semaphore, #tpu.memory_space<semaphore_mem>>
      %dma_start3A = arith.constant 0 : i32
      %dma_start3A_29 = tpu.memref_slice %arg9[%add3A_14, %dma_start3A] : memref<10240x128xf32, #tpu.memory_space<vmem_shared>> -> memref<128x128xf32, #tpu.memory_space<vmem_shared>>
      %dma_start3A_30 = arith.constant 0 : i32
      %dma_start3A_31 = tpu.memref_slice %arg9[%add3A_14, %dma_start3A_30] : memref<10240x128xf32, #tpu.memory_space<vmem_shared>> -> memref<128x128xf32, #tpu.memory_space<vmem_shared>>
      tpu.enqueue_dma source(%arg8 : memref<128x128xf32, #tpu.memory_space<vmem>>) target(%dma_start3A_31 : memref<128x128xf32, #tpu.memory_space<vmem_shared>>) target_semaphore(%run_scoped3A : memref<!tpu.dma_semaphore, #tpu.memory_space<semaphore_mem>>)
      %dma_wait3A = arith.constant 0 : i32
      %dma_wait3A_32 = tpu.memref_slice %arg9[%add3A_14, %dma_wait3A] : memref<10240x128xf32, #tpu.memory_space<vmem_shared>> -> memref<128x128xf32, #tpu.memory_space<vmem_shared>>
      %dma_wait3A_33 = arith.constant 0 : i32
      %dma_wait3A_34 = tpu.memref_slice %arg9[%add3A_14, %dma_wait3A_33] : memref<10240x128xf32, #tpu.memory_space<vmem_shared>> -> memref<128x128xf32, #tpu.memory_space<vmem_shared>>
      tpu.wait_dma2 semaphore(%run_scoped3A : memref<!tpu.dma_semaphore, #tpu.memory_space<semaphore_mem>>) src(%arg8 : memref<128x128xf32, #tpu.memory_space<vmem>>) dst(%dma_wait3A_34 : memref<128x128xf32, #tpu.memory_space<vmem_shared>>)
      tpu.yield
    }) : () -> ()
    %add3A_15 = arith.constant 512 : i32
    %add3A_16 = arith.addi %mul3A_6, %add3A_15 : i32
    "tpu.region"() ({
      %run_scoped3A = tpu.sem_alloc : memref<!tpu.dma_semaphore, #tpu.memory_space<semaphore_mem>>
      %dma_start3A = arith.constant 0 : i32
      %dma_start3A_29 = tpu.memref_slice %arg9[%add3A_16, %dma_start3A] : memref<10240x128xf32, #tpu.memory_space<vmem_shared>> -> memref<128x128xf32, #tpu.memory_space<vmem_shared>>
      %dma_start3A_30 = arith.constant 0 : i32
      %dma_start3A_31 = tpu.memref_slice %arg9[%add3A_16, %dma_start3A_30] : memref<10240x128xf32, #tpu.memory_space<vmem_shared>> -> memref<128x128xf32, #tpu.memory_space<vmem_shared>>
      tpu.enqueue_dma source(%arg8 : memref<128x128xf32, #tpu.memory_space<vmem>>) target(%dma_start3A_31 : memref<128x128xf32, #tpu.memory_space<vmem_shared>>) target_semaphore(%run_scoped3A : memref<!tpu.dma_semaphore, #tpu.memory_space<semaphore_mem>>)
      %dma_wait3A = arith.constant 0 : i32
      %dma_wait3A_32 = tpu.memref_slice %arg9[%add3A_16, %dma_wait3A] : memref<10240x128xf32, #tpu.memory_space<vmem_shared>> -> memref<128x128xf32, #tpu.memory_space<vmem_shared>>
      %dma_wait3A_33 = arith.constant 0 : i32
      %dma_wait3A_34 = tpu.memref_slice %arg9[%add3A_16, %dma_wait3A_33] : memref<10240x128xf32, #tpu.memory_space<vmem_shared>> -> memref<128x128xf32, #tpu.memory_space<vmem_shared>>
      tpu.wait_dma2 semaphore(%run_scoped3A : memref<!tpu.dma_semaphore, #tpu.memory_space<semaphore_mem>>) src(%arg8 : memref<128x128xf32, #tpu.memory_space<vmem>>) dst(%dma_wait3A_34 : memref<128x128xf32, #tpu.memory_space<vmem_shared>>)
      tpu.yield
    }) : () -> ()
    %barrier3A = arith.constant 0 : index
    tpu.barrier barrier_id(%barrier3A)
    %scan3A_17 = arith.constant 0 : i32
    %scan3A_18 = arith.constant 79 : i32
    %scan3A_19 = arith.addi %scan3A_17, %scan3A_18 : i32
    %scan3A_20 = arith.constant 1 : i32
    scf.for %scan3A_29 = %scan3A_17 to %scan3A_19 step %scan3A_20  : i32 {
      %mul3A_30 = arith.constant 1 : i32
      %mul3A_31 = arith.muli %scan3A_29, %mul3A_30 : i32
      %add3A_32 = arith.constant 0 : i32
      %add3A_33 = arith.addi %add3A_32, %mul3A_31 : i32
      "tpu.region"() ({
        %run_scoped3A = tpu.sem_alloc : memref<!tpu.dma_semaphore, #tpu.memory_space<semaphore_mem>>
        %dma_start3A = arith.constant 0 : i32
        %dma_start3A_34 = tpu.memref_slice %arg6[%add3A_33, %dma_start3A] : memref<79x128xi32, #tpu.memory_space<vmem>> -> memref<1x128xi32, #tpu.memory_space<vmem>>
        %dma_start3A_35 = tpu.memref_squeeze %dma_start3A_34 : memref<1x128xi32, #tpu.memory_space<vmem>> -> memref<128xi32, #tpu.memory_space<vmem>>
        %dma_start3A_36 = arith.constant 0 : i32
        %dma_start3A_37 = arith.constant 0 : i32
        %dma_start3A_38 = tpu.memref_slice %arg4[%dma_start3A_36, %dma_start3A_37] : memref<10000x128xf32, #tpu.memory_space<hbm>> -> memref<10000x128xf32, #tpu.memory_space<hbm>>
        tpu.enqueue_indirect_dma source(%dma_start3A_38 : memref<10000x128xf32, #tpu.memory_space<hbm>>) target(%arg8 : memref<128x128xf32, #tpu.memory_space<vmem>>) offsets(%dma_start3A_35 : memref<128xi32, #tpu.memory_space<vmem>>) semaphore(%run_scoped3A : memref<!tpu.dma_semaphore, #tpu.memory_space<semaphore_mem>>)
        %dma_wait3A = arith.constant 0 : i32
        %dma_wait3A_39 = tpu.memref_slice %arg6[%add3A_33, %dma_wait3A] : memref<79x128xi32, #tpu.memory_space<vmem>> -> memref<1x128xi32, #tpu.memory_space<vmem>>
        %dma_wait3A_40 = tpu.memref_squeeze %dma_wait3A_39 : memref<1x128xi32, #tpu.memory_space<vmem>> -> memref<128xi32, #tpu.memory_space<vmem>>
        %dma_wait3A_41 = arith.constant 0 : i32
        %dma_wait3A_42 = arith.constant 0 : i32
        %dma_wait3A_43 = tpu.memref_slice %arg4[%dma_wait3A_41, %dma_wait3A_42] : memref<10000x128xf32, #tpu.memory_space<hbm>> -> memref<10000x128xf32, #tpu.memory_space<hbm>>
        tpu.wait_indirect_dma semaphore(%run_scoped3A : memref<!tpu.dma_semaphore, #tpu.memory_space<semaphore_mem>>) src(%dma_wait3A_43 : memref<10000x128xf32, #tpu.memory_space<hbm>>) dst(%arg8 : memref<128x128xf32, #tpu.memory_space<vmem>>)
        tpu.yield
      }) : () -> ()
      "tpu.region"() ({
        %run_scoped3A = tpu.sem_alloc : memref<!tpu.dma_semaphore, #tpu.memory_space<semaphore_mem>>
        %dma_start3A = arith.constant 0 : i32
        %dma_start3A_34 = tpu.memref_slice %arg7[%add3A_33, %dma_start3A] : memref<79x128xi32, #tpu.memory_space<vmem>> -> memref<1x128xi32, #tpu.memory_space<vmem>>
        %dma_start3A_35 = tpu.memref_squeeze %dma_start3A_34 : memref<1x128xi32, #tpu.memory_space<vmem>> -> memref<128xi32, #tpu.memory_space<vmem>>
        %dma_start3A_36 = arith.constant 0 : i32
        %dma_start3A_37 = arith.constant 0 : i32
        %dma_start3A_38 = tpu.memref_slice %arg9[%dma_start3A_36, %dma_start3A_37] : memref<10240x128xf32, #tpu.memory_space<vmem_shared>> -> memref<10240x128xf32, #tpu.memory_space<vmem_shared>>
        tpu.enqueue_indirect_dma source(%arg8 : memref<128x128xf32, #tpu.memory_space<vmem>>) target(%dma_start3A_38 : memref<10240x128xf32, #tpu.memory_space<vmem_shared>>) offsets(%dma_start3A_35 : memref<128xi32, #tpu.memory_space<vmem>>) semaphore(%run_scoped3A : memref<!tpu.dma_semaphore, #tpu.memory_space<semaphore_mem>>) {add = true}
        %dma_wait3A = arith.constant 0 : i32
        %dma_wait3A_39 = tpu.memref_slice %arg7[%add3A_33, %dma_wait3A] : memref<79x128xi32, #tpu.memory_space<vmem>> -> memref<1x128xi32, #tpu.memory_space<vmem>>
        %dma_wait3A_40 = tpu.memref_squeeze %dma_wait3A_39 : memref<1x128xi32, #tpu.memory_space<vmem>> -> memref<128xi32, #tpu.memory_space<vmem>>
        %dma_wait3A_41 = arith.constant 0 : i32
        %dma_wait3A_42 = arith.constant 0 : i32
        %dma_wait3A_43 = tpu.memref_slice %arg9[%dma_wait3A_41, %dma_wait3A_42] : memref<10240x128xf32, #tpu.memory_space<vmem_shared>> -> memref<10240x128xf32, #tpu.memory_space<vmem_shared>>
        tpu.wait_indirect_dma semaphore(%run_scoped3A : memref<!tpu.dma_semaphore, #tpu.memory_space<semaphore_mem>>) src(%arg8 : memref<128x128xf32, #tpu.memory_space<vmem>>) dst(%dma_wait3A_43 : memref<10240x128xf32, #tpu.memory_space<vmem_shared>>)
        tpu.yield
      }) : () -> ()
    }
    %scan3A_21 = arith.constant 79 : i32
    %barrier3A_22 = arith.constant 0 : index
    tpu.barrier barrier_id(%barrier3A_22)
    %lt3A = arith.constant 15 : i32
    %lt3A_23 = arith.cmpi slt, %arg1, %lt3A : i32
    %convert_element_type3A = arith.extui %lt3A_23 : i1 to i32
    %cond3A = arith.constant 0 : i32
    %cond3A_24 = arith.cmpi ne, %convert_element_type3A, %cond3A : i32
    scf.if %cond3A_24 {
      "tpu.region"() ({
        %run_scoped3A = tpu.sem_alloc : memref<!tpu.dma_semaphore, #tpu.memory_space<semaphore_mem>>
        %dma_start3A = arith.constant 0 : i32
        %dma_start3A_29 = tpu.memref_slice %arg5[%arg0, %mul3A_6, %dma_start3A] : memref<2x10000x128xf32, #tpu.memory_space<hbm>> -> memref<1x640x128xf32, #tpu.memory_space<hbm>>
        %dma_start3A_30 = tpu.memref_squeeze %dma_start3A_29 : memref<1x640x128xf32, #tpu.memory_space<hbm>> -> memref<640x128xf32, #tpu.memory_space<hbm>>
        %dma_start3A_31 = arith.constant 0 : i32
        %dma_start3A_32 = tpu.memref_slice %arg9[%mul3A_6, %dma_start3A_31] : memref<10240x128xf32, #tpu.memory_space<vmem_shared>> -> memref<640x128xf32, #tpu.memory_space<vmem_shared>>
        tpu.enqueue_dma source(%dma_start3A_32 : memref<640x128xf32, #tpu.memory_space<vmem_shared>>) target(%dma_start3A_30 : memref<640x128xf32, #tpu.memory_space<hbm>>) target_semaphore(%run_scoped3A : memref<!tpu.dma_semaphore, #tpu.memory_space<semaphore_mem>>)
        %dma_wait3A = arith.constant 0 : i32
        %dma_wait3A_33 = tpu.memref_slice %arg5[%arg0, %mul3A_6, %dma_wait3A] : memref<2x10000x128xf32, #tpu.memory_space<hbm>> -> memref<1x640x128xf32, #tpu.memory_space<hbm>>
        %dma_wait3A_34 = tpu.memref_squeeze %dma_wait3A_33 : memref<1x640x128xf32, #tpu.memory_space<hbm>> -> memref<640x128xf32, #tpu.memory_space<hbm>>
        %dma_wait3A_35 = arith.constant 0 : i32
        %dma_wait3A_36 = tpu.memref_slice %arg9[%mul3A_6, %dma_wait3A_35] : memref<10240x128xf32, #tpu.memory_space<vmem_shared>> -> memref<640x128xf32, #tpu.memory_space<vmem_shared>>
        tpu.wait_dma2 semaphore(%run_scoped3A : memref<!tpu.dma_semaphore, #tpu.memory_space<semaphore_mem>>) src(%dma_wait3A_36 : memref<640x128xf32, #tpu.memory_space<vmem_shared>>) dst(%dma_wait3A_34 : memref<640x128xf32, #tpu.memory_space<hbm>>)
        tpu.yield
      }) : () -> ()
    } else {
    }
    %eq3A = arith.constant 15 : i32
    %eq3A_25 = arith.cmpi eq, %arg1, %eq3A : i32
    %convert_element_type3A_26 = arith.extui %eq3A_25 : i1 to i32
    %cond3A_27 = arith.constant 0 : i32
    %cond3A_28 = arith.cmpi ne, %convert_element_type3A_26, %cond3A_27 : i32
    scf.if %cond3A_28 {
      "tpu.region"() ({
        %run_scoped3A = tpu.sem_alloc : memref<!tpu.dma_semaphore, #tpu.memory_space<semaphore_mem>>
        %dma_start3A = arith.constant 9600 : i32
        %dma_start3A_29 = arith.constant 0 : i32
        %dma_start3A_30 = tpu.memref_slice %arg5[%arg0, %dma_start3A, %dma_start3A_29] : memref<2x10000x128xf32, #tpu.memory_space<hbm>> -> memref<1x400x128xf32, #tpu.memory_space<hbm>>
        %dma_start3A_31 = tpu.memref_squeeze %dma_start3A_30 : memref<1x400x128xf32, #tpu.memory_space<hbm>> -> memref<400x128xf32, #tpu.memory_space<hbm>>
        %dma_start3A_32 = arith.constant 9600 : i32
        %dma_start3A_33 = arith.constant 0 : i32
        %dma_start3A_34 = tpu.memref_slice %arg9[%dma_start3A_32, %dma_start3A_33] : memref<10240x128xf32, #tpu.memory_space<vmem_shared>> -> memref<400x128xf32, #tpu.memory_space<vmem_shared>>
        tpu.enqueue_dma source(%dma_start3A_34 : memref<400x128xf32, #tpu.memory_space<vmem_shared>>) target(%dma_start3A_31 : memref<400x128xf32, #tpu.memory_space<hbm>>) target_semaphore(%run_scoped3A : memref<!tpu.dma_semaphore, #tpu.memory_space<semaphore_mem>>)
        %dma_wait3A = arith.constant 9600 : i32
        %dma_wait3A_35 = arith.constant 0 : i32
        %dma_wait3A_36 = tpu.memref_slice %arg5[%arg0, %dma_wait3A, %dma_wait3A_35] : memref<2x10000x128xf32, #tpu.memory_space<hbm>> -> memref<1x400x128xf32, #tpu.memory_space<hbm>>
        %dma_wait3A_37 = tpu.memref_squeeze %dma_wait3A_36 : memref<1x400x128xf32, #tpu.memory_space<hbm>> -> memref<400x128xf32, #tpu.memory_space<hbm>>
        %dma_wait3A_38 = arith.constant 9600 : i32
        %dma_wait3A_39 = arith.constant 0 : i32
        %dma_wait3A_40 = tpu.memref_slice %arg9[%dma_wait3A_38, %dma_wait3A_39] : memref<10240x128xf32, #tpu.memory_space<vmem_shared>> -> memref<400x128xf32, #tpu.memory_space<vmem_shared>>
        tpu.wait_dma2 semaphore(%run_scoped3A : memref<!tpu.dma_semaphore, #tpu.memory_space<semaphore_mem>>) src(%dma_wait3A_40 : memref<400x128xf32, #tpu.memory_space<vmem_shared>>) dst(%dma_wait3A_37 : memref<400x128xf32, #tpu.memory_space<hbm>>)
        tpu.yield
      }) : () -> ()
    } else {
    }
    return
  }
}

module attributes {stable_mosaic.version = 14 : i64} {
  func.func @body(%arg0: memref<32x10112xf32, #tpu.memory_space<vmem>>, %arg1: memref<10112x1xf32, #tpu.memory_space<vmem>>) attributes {dimension_semantics = [], scalar_prefetch = 0 : i64, scratch_operands = 0 : i64, tpu.core_type = #tpu.core_type<tc>} {
    %get3A = arith.constant 0 : index
    %get3A_0 = arith.constant 0 : index
    %get3A_1 = vector.load %arg0[%get3A, %get3A_0] : memref<32x10112xf32, #tpu.memory_space<vmem>>, vector<32x10112xf32>
    %reduce_sum3A = arith.constant dense<0.000000e+00> : vector<10112xf32>
    %reduce_sum3A_2 = vector.multi_reduction <add>, %get3A_1, %reduce_sum3A [0] : vector<32x10112xf32> to vector<10112xf32>
    %broadcast_in_dim3A = vector.shape_cast %reduce_sum3A_2 : vector<10112xf32> to vector<10112x1xf32>
    %swap3A = arith.constant 0 : index
    %swap3A_3 = arith.constant 0 : index
    %swap3A_4 = vector.load %arg1[%swap3A, %swap3A_3] : memref<10112x1xf32, #tpu.memory_space<vmem>>, vector<10112x1xf32>
    tpu.vector_store %arg1[%swap3A, %swap3A_3], %broadcast_in_dim3A {strides = array<i32>} : memref<10112x1xf32, #tpu.memory_space<vmem>>, vector<10112x1xf32>,
    return
  }
}

module attributes {stable_mosaic.version = 14 : i64} {
  func.func @body(%arg0: i32, %arg1: memref<2x1000x128xf32, #tpu.memory_space<vmem>>, %arg2: memref<1000x1xf32, #tpu.memory_space<vmem>>, %arg3: memref<1000x128xf32, #tpu.memory_space<vmem>>) attributes {dimension_semantics = [#tpu.dimension_semantics<arbitrary>], iteration_bounds = array<i64: 10>, scalar_prefetch = 0 : i64, scratch_operands = 0 : i64, tpu.core_type = #tpu.core_type<tc>, window_params = [{transform_indices = @transform_0, window_bounds = array<i64: 2, 1000, 128>}, {transform_indices = @transform_1, window_bounds = array<i64: 1000, 1>}, {transform_indices = @transform_2, window_bounds = array<i64: 1000, 128>}]} {
    %get3A = arith.constant 0 : index
    %get3A_0 = arith.constant 0 : index
    %get3A_1 = arith.constant 0 : index
    %get3A_2 = vector.load %arg1[%get3A, %get3A_0, %get3A_1] : memref<2x1000x128xf32, #tpu.memory_space<vmem>>, vector<1x1000x128xf32>
    %get3A_3 = vector.shape_cast %get3A_2 : vector<1x1000x128xf32> to vector<1000x128xf32>
    %get3A_4 = arith.constant 1 : index
    %get3A_5 = arith.constant 0 : index
    %get3A_6 = arith.constant 0 : index
    %get3A_7 = vector.load %arg1[%get3A_4, %get3A_5, %get3A_6] : memref<2x1000x128xf32, #tpu.memory_space<vmem>>, vector<1x1000x128xf32>
    %get3A_8 = vector.shape_cast %get3A_7 : vector<1x1000x128xf32> to vector<1000x128xf32>
    %add3A = arith.addf %get3A_3, %get3A_8 : vector<1000x128xf32>
    %get3A_9 = arith.constant 0 : index
    %get3A_10 = arith.constant 0 : index
    %get3A_11 = vector.load %arg2[%get3A_9, %get3A_10] : memref<1000x1xf32, #tpu.memory_space<vmem>>, vector<1000x1xf32>
    %max3A = arith.constant 1.000000e+00 : f32
    %max3A_12 = vector.broadcast %max3A : f32 to vector<1000x1xf32>
    %max3A_13 = arith.maximumf %get3A_11, %max3A_12 : vector<1000x1xf32>
    %div3A = arith.constant 1.000000e+00 : f32
    %div3A_14 = vector.broadcast %div3A : f32 to vector<1000x1xf32>
    %div3A_15 = arith.divf %div3A_14, %max3A_13 : vector<1000x1xf32>
    %mul3A = vector.broadcast %div3A_15 : vector<1000x1xf32> to vector<1000x128xf32>
    %mul3A_16 = arith.mulf %add3A, %mul3A : vector<1000x128xf32>
    %swap3A = arith.constant 0 : index
    %swap3A_17 = arith.constant 0 : index
    %swap3A_18 = vector.load %arg3[%swap3A, %swap3A_17] : memref<1000x128xf32, #tpu.memory_space<vmem>>, vector<1000x128xf32>
    tpu.vector_store %arg3[%swap3A, %swap3A_17], %mul3A_16 {strides = array<i32>} : memref<1000x128xf32, #tpu.memory_space<vmem>>, vector<1000x128xf32>,
    return
  }
  func.func @transform_0(%arg0: i32) -> (i32, i32, i32) {
    %c0_i32 = arith.constant 0 : i32
    %c0_i32_0 = arith.constant 0 : i32
    %c0_i32_1 = arith.constant 0 : i32
    return %c0_i32, %arg0, %c0_i32_0 : i32, i32, i32
  }
  func.func @transform_1(%arg0: i32) -> (i32, i32) {
    %c0_i32 = arith.constant 0 : i32
    %c0_i32_0 = arith.constant 0 : i32
    return %arg0, %c0_i32 : i32, i32
  }
  func.func @transform_2(%arg0: i32) -> (i32, i32) {
    %c0_i32 = arith.constant 0 : i32
    %c0_i32_0 = arith.constant 0 : i32
    return %arg0, %c0_i32 : i32, i32
  }
}

module attributes {stable_mosaic.version = 14 : i64} {
  func.func @body(%arg0: i32, %arg1: memref<2x1000x128xf32, #tpu.memory_space<vmem>>, %arg2: memref<1000x1xf32, #tpu.memory_space<vmem>>, %arg3: memref<1000x128xf32, #tpu.memory_space<vmem>>) attributes {dimension_semantics = [#tpu.dimension_semantics<arbitrary>], iteration_bounds = array<i64: 10>, scalar_prefetch = 0 : i64, scratch_operands = 0 : i64, tpu.core_type = #tpu.core_type<tc>, window_params = [{transform_indices = @transform_0, window_bounds = array<i64: 2, 1000, 128>}, {transform_indices = @transform_1, window_bounds = array<i64: 1000, 1>}, {transform_indices = @transform_2, window_bounds = array<i64: 1000, 128>}]} {
    %get3A = arith.constant 0 : index
    %get3A_0 = arith.constant 0 : index
    %get3A_1 = arith.constant 0 : index
    %get3A_2 = vector.load %arg1[%get3A, %get3A_0, %get3A_1] : memref<2x1000x128xf32, #tpu.memory_space<vmem>>, vector<1x1000x128xf32>
    %get3A_3 = vector.shape_cast %get3A_2 : vector<1x1000x128xf32> to vector<1000x128xf32>
    %get3A_4 = arith.constant 1 : index
    %get3A_5 = arith.constant 0 : index
    %get3A_6 = arith.constant 0 : index
    %get3A_7 = vector.load %arg1[%get3A_4, %get3A_5, %get3A_6] : memref<2x1000x128xf32, #tpu.memory_space<vmem>>, vector<1x1000x128xf32>
    %get3A_8 = vector.shape_cast %get3A_7 : vector<1x1000x128xf32> to vector<1000x128xf32>
    %add3A = arith.addf %get3A_3, %get3A_8 : vector<1000x128xf32>
    %get3A_9 = arith.constant 0 : index
    %get3A_10 = arith.constant 0 : index
    %get3A_11 = vector.load %arg2[%get3A_9, %get3A_10] : memref<1000x1xf32, #tpu.memory_space<vmem>>, vector<1000x1xf32>
    %max3A = arith.constant 1.000000e+00 : f32
    %max3A_12 = vector.broadcast %max3A : f32 to vector<1000x1xf32>
    %max3A_13 = arith.maximumf %get3A_11, %max3A_12 : vector<1000x1xf32>
    %div3A = arith.constant 1.000000e+00 : f32
    %div3A_14 = vector.broadcast %div3A : f32 to vector<1000x1xf32>
    %div3A_15 = arith.divf %div3A_14, %max3A_13 : vector<1000x1xf32>
    %mul3A = vector.broadcast %div3A_15 : vector<1000x1xf32> to vector<1000x128xf32>
    %mul3A_16 = arith.mulf %add3A, %mul3A : vector<1000x128xf32>
    %swap3A = arith.constant 0 : index
    %swap3A_17 = arith.constant 0 : index
    %swap3A_18 = vector.load %arg3[%swap3A, %swap3A_17] : memref<1000x128xf32, #tpu.memory_space<vmem>>, vector<1000x128xf32>
    tpu.vector_store %arg3[%swap3A, %swap3A_17], %mul3A_16 {strides = array<i32>} : memref<1000x128xf32, #tpu.memory_space<vmem>>, vector<1000x128xf32>,
    return
  }
  func.func @transform_0(%arg0: i32) -> (i32, i32, i32) {
    %c0_i32 = arith.constant 0 : i32
    %c0_i32_0 = arith.constant 0 : i32
    %c0_i32_1 = arith.constant 0 : i32
    return %c0_i32, %arg0, %c0_i32_0 : i32, i32, i32
  }
  func.func @transform_1(%arg0: i32) -> (i32, i32) {
    %c0_i32 = arith.constant 0 : i32
    %c0_i32_0 = arith.constant 0 : i32
    return %arg0, %c0_i32 : i32, i32
  }
  func.func @transform_2(%arg0: i32) -> (i32, i32) {
    %c0_i32 = arith.constant 0 : i32
    %c0_i32_0 = arith.constant 0 : i32
    return %arg0, %c0_i32 : i32, i32
  }
}

</mosaic_0001>

<sc_bundles>
// kernel: kernel.10.cloned.1.call-start
scs
__scs_entry_jumppad:
0x0: {  	(pc) =	sbr.rel $0x88, $3  }
0x1: {  	(tag) =	ssettag $0x0;
	lr =	simm.s32 $0x1  }
0x2: {  	[smem:$0x3F9F] =	sst lr;
	_ =	strace $0xD0000000  }
0x3: {  	_ = 	snop  }
0x4: {  	_ = 	snop  }
0x5: {  	_ = 	snop  }
0x6: {  	_ = 	snop  }
0x7: {  	_ = 	snop  }
__scs_overlays_trampoline_lowered:
0x8: {  	[smem:$0x3FAE] =	sst s0  }
0x9: {  	[smem:$0x3FAF] =	sst s1  }
0xa: {  	[smem:$0x3FB0] =	sst s2  }
0xb: {  	[smem:$0x3FB1] =	sst s3  }
0xc: {  	[smem:$0x3FB2] =	sst s4  }
0xd: {  	[smem:$0x3FB3] =	sst s5  }
0xe: {  	[smem:$0x3FB4] =	sst s6  }
0xf: {  	[smem:$0x3FB5] =	sst s7  }
0x10: {  	[smem:$0x3FB6] =	sst s8  }
0x11: {  	[smem:$0x3FB7] =	sst s9;
	s0 =	simm.s32 @!p0 $0x0  }
0x12: {  	s1 =	sld [smem:$0x3F9D];
	s0 =	simm.s32 @p0 $0x1  }
0x13: {  	[smem:$0x3FB8] =	sst s0;
	s0 =	simm.s32 @!p1 $0x0  }
0x14: {  	s2 =	sld [smem:$0x3F9C];
	s0 =	simm.s32 @p1 $0x1  }
0x15: {  	[smem:$0x3FB9] =	sst s0;
	s0 =	simm.s32 @!p2 $0x0  }
0x16: {  	s3 =	sld [smem:$0x3FDB];
	s0 =	simm.s32 @p2 $0x1  }
0x17: {  	s4 =	simm.s32 $0x1BF5;
	[smem:$0x3FBB] =	sst s0  }
0x18: {  	s0 =	sld [smem:$0x3F9E];
	_ =	swait.ge [sflag:s4], $0x0  }
0x19: {  	s7 =	sld [smem:$0x3F9F]  }
0x1a: {  	s8 =	sadd.s32 $0xFFFFE003, lr  }
0x1b: {  	s9 =	sadd.s32 $0xFFFFFEF7, lr;
	s5 =	simm.s32 $0xFFFFFFFF;
	p2 =	slt.u32 s8, $0xFFFFF086  }
0x1c: {  	p1 =	slt.u32 s9, $0xF7A;
	s5 =	simm.s32 @!p2 $0x0  }
0x1d: {  	s5 =	simm.s32 @p1 $0x1;
	p0 =	seq.s32 s7, s2  }
0x1e: {  	s7 =	smul.u32 @!p0 $0xF7A, s2;
	p2 =	seq.s32 @!p0 s5, $0x0  }
0x1f: {  	s9 =	smul.u32 $0xF7A, s1;
	s8 =	simm.s32 @!p0 $0x1BF5;
	p2 =	por !p2, p0  }
0x20: {  	[sflag:s8] =	ssyncset.s32 @!p0 $0xFFFFF086;
	s6 =	sadd.s32 @!p0 s3, s7;
	s7 =	simm.s32 @!p0 $0x108  }
0x21: {  	s3 =	sadd.s32 s3, s9;
	s6 =	sadd.s32 @!p0 $0x88, s6;
	s7 =	simm.s32 @p2 $0x1082  }
0x22: {  	[simem:s7], [sflag:s8] =	dma.local @!p0 [hbm:s6], $0xF7A  }
0x23: {  	s9 =	sor.u32 $0xD0000000, s2;
	s6 =	simm.s32 $0x108;
	_ =	swait.ge @!p0 [sflag:s8], $0x0  }
0x24: {  	s3 =	sadd.s32 $0x88, s3;
	s6 =	simm.s32 @!p1 $0x1082;
	[sflag:s4] =	ssyncset.s32 $0xFFFFF086  }
0x25: {  	[simem:s6], [sflag:s4] =	dma.local [hbm:s3], $0xF7A  }
0x26: {  	[smem:$0x3F9F] =	sst s1;
	(tag) =	ssettag s2;
	_ =	strace s9  }
0x27: {  	s1 =	sld [smem:$0x3FAF]  }
0x28: {  	s2 =	sld [smem:$0x3FB0]  }
0x29: {  	s4 =	sld [smem:$0x3FB2]  }
0x2a: {  	p0 =	seq.s32 s5, $0x0;
	s5 =	sld [smem:$0x3FB3]  }
0x2b: {  	s6 =	sld [smem:$0x3FB4]  }
0x2c: {  	s7 =	sld [smem:$0x3FB5]  }
0x2d: {  	s3 =	simm.s32 $0x108;
	s8 =	sld [smem:$0x3FB6]  }
0x2e: {  	s3 =	simm.s32 @!p0 $0x1082;
	s9 =	sld [smem:$0x3FB7]  }
0x2f: {  	lr =	sadd.s32 s0, s3;
	s0 =	sld [smem:$0x3FAE]  }
0x30: {  	s3 =	sld [smem:$0x3FB1]  }
0x31: {  	[smem:$0x3FBA] =	sst s10  }
0x32: {  	s10 =	sld [smem:$0x3FB8];
	_ =	sdelay $0x3  }
0x33: {  	p0 =	seq.s32 s10, $0x1;
	s10 =	sld [smem:$0x3FBA];
	_ =	sdelay $0x3  }
0x34: {  	[smem:$0x3FBA] =	sst s10  }
0x35: {  	s10 =	sld [smem:$0x3FB9];
	_ =	sdelay $0x3  }
0x36: {  	p1 =	seq.s32 s10, $0x1;
	s10 =	sld [smem:$0x3FBA];
	_ =	sdelay $0x3  }
0x37: {  	[smem:$0x3FBA] =	sst s10  }
0x38: {  	s10 =	sld [smem:$0x3FBB]  }
0x39: {  	_ = 	snop;
	(pc) =	sbr.ind lr, $3  }
0x3a: {  	_ = 	snop  }
0x3b: {  	_ = 	snop  }
0x3c: {  	p2 =	seq.s32 s10, $0x1;
	s10 =	sld [smem:$0x3FBA]  }
0x3d: {  	_ =	shalt  }
0x3e: {  	_ =	shalt  }
0x3f: {  	_ =	shalt  }
0x40: {  	_ =	shalt  }
0x41: {  	_ =	shalt  }
0x42: {  	_ =	shalt  }
0x43: {  	_ =	shalt  }
0x44: {  	_ =	shalt  }
0x45: {  	_ =	shalt  }
0x46: {  	_ =	shalt  }
0x47: {  	_ =	shalt  }
0x48: {  	_ =	shalt  }
0x49: {  	_ =	shalt  }
0x4a: {  	_ =	shalt  }
0x4b: {  	_ =	shalt  }
0x4c: {  	_ =	shalt  }
0x4d: {  	_ =	shalt  }
0x4e: {  	_ =	shalt  }
0x4f: {  	_ =	shalt  }
0x50: {  	_ =	shalt  }
0x51: {  	_ =	shalt  }
0x52: {  	_ =	shalt  }
0x53: {  	_ =	shalt  }
0x54: {  	_ =	shalt  }
0x55: {  	_ =	shalt  }
0x56: {  	_ =	shalt  }
0x57: {  	_ =	shalt  }
0x58: {  	_ =	shalt  }
0x59: {  	_ =	shalt  }
0x5a: {  	_ =	shalt  }
0x5b: {  	_ =	shalt  }
0x5c: {  	_ =	shalt  }
0x5d: {  	_ =	shalt  }
0x5e: {  	_ =	shalt  }
0x5f: {  	_ =	shalt  }
0x60: {  	_ =	shalt  }
0x61: {  	_ =	shalt  }
0x62: {  	_ =	shalt  }
0x63: {  	_ =	shalt  }
0x64: {  	_ =	shalt  }
0x65: {  	_ =	shalt  }
0x66: {  	_ =	shalt  }
0x67: {  	_ =	shalt  }
0x68: {  	_ =	shalt  }
0x69: {  	_ =	shalt  }
0x6a: {  	_ =	shalt  }
0x6b: {  	_ =	shalt  }
0x6c: {  	_ =	shalt  }
0x6d: {  	_ =	shalt  }
0x6e: {  	_ =	shalt  }
0x6f: {  	_ =	shalt  }
0x70: {  	_ =	shalt  }
0x71: {  	_ =	shalt  }
0x72: {  	_ =	shalt  }
0x73: {  	_ =	shalt  }
0x74: {  	_ =	shalt  }
0x75: {  	_ =	shalt  }
0x76: {  	_ =	shalt  }
0x77: {  	_ =	shalt  }
0x78: {  	_ =	shalt  }
0x79: {  	_ =	shalt  }
0x7a: {  	_ =	shalt  }
0x7b: {  	_ =	shalt  }
0x7c: {  	_ =	shalt  }
0x7d: {  	_ =	shalt  }
0x7e: {  	_ =	shalt  }
0x7f: {  	_ =	shalt  }
0x80: {  	_ =	shalt  }
0x81: {  	_ =	shalt  }
0x82: {  	_ =	shalt  }
0x83: {  	_ =	shalt  }
0x84: {  	_ =	shalt  }
0x85: {  	_ =	shalt  }
0x86: {  	_ =	shalt  }
0x87: {  	_ =	shalt  }
.Lfunc_end0:
.L_simem_size_0:
called_computation_lowered:
.L_overlay_start_0:
0x88: {  	s2 =	sld [smem:$0x3FD9]  }
0x89: {  	s3 =	sld [smem:$0x3FFE];
	_ =	sdelay $0x1  }
0x8a: {  	s1 =	srdreg.scid  }
0x8b: {  	s0 =	sand.u32 $0x1, s1  }
0x8c: {  	s17 =	sshll.u32 s0, $0xA;
	s2 =	sadd.s32 s3, s2  }
0x8d: {  	s2 =	sadd.s32 s2, s17  }
0x8e: {  	[smem:$0x3FC6] =	sst s2  }
0x8f: {  	_ = 	snop  }
0x90: {  	s2 =	sld [smem:$0x3FD0];
	(tm) =	ssettm $0x1  }
0x91: {  	s18 =	sld [smem:$0x3FFB];
	_ =	sdelay $0x3  }
0x92: {  	_ =	strace s18  }
0x93: {  	s3 =	sld [smem:$0x3FFC];
	_ =	sdelay $0x3  }
0x94: {  	_ =	strace s3  }
0x95: {  	s3 =	sld [smem:$0x3FFD];
	_ =	sdelay $0x3  }
0x96: {  	_ =	strace s3  }
0x97: {  	_ =	strace $0x8FFFFFFF  }
0x98: {  	s19 =	sld [smem:$0x3FDB];
	_ =	sdelay $0x1  }
0x99: {  	s4 =	simm.s32 $_scs_section_size  }
0x9a: {  	s5 =	simm.s32 $_size__tile_overlayer_lowered;
	s6 =	simm.s32 $_tile_overlayer_lowered  }
0x9b: {  	s22 =	simm.s32 $0x1BFF;
	s21 =	sshll.u32 s6, $0x1;
	s3 =	sadd.s32 s4, s19  }
0x9c: {  	s7 =	simm.s32 $0x0;
	s20 =	sshll.u32 s5, $0x1;
	s5 =	sadd.s32 s21, s3  }
0x9d: {  	[timem:s7], [sflag:s22] =	dma.local [hbm:s5], s20  }
0x9e: {  	_ =	swait.ge [sflag:s22], s20  }
0x9f: {  	s4 =	ssub.s32 $0x0, s20;
	[sflag:s22] =	ssyncset.done $0x0  }
0xa0: {  	[sflag:s22] =	ssyncadd.s32 s4;
	_ =	sdelay $0x1  }
0xa1: {  	s23 =	simm.s32 $0x1B8B  }
0xa2: {  	_ =	swait.ge [sflag:s23], $0x1  }
0xa3: {  	[sflag:s23] =	ssyncset.done $0x0  }
0xa4: {  	s25 =	simm.s32 $0x1B8E;
	s24 =	sld [smem:$0x3FFE];
	[sflag:s23] =	ssyncadd.s32 $0xFFFFFFFF  }
0xa5: {  	s26 =	simm.s32 $execute0_lowered;
	[smem:$0x3FD2] =	sst s25  }
0xa6: {  	s5 =	sshll.u32 s26, $0x1;
	_ =	strace $0x80000046;
	[dreg:$0x1] =	wrdreg $0xFFFFFFFF  }
0xa7: {  	s28 =	simm.s32 $_size_execute0_lowered;
	s3 =	sadd.s32 s3, s5;
	[dreg:$0x0] =	wrdreg $0x0  }
0xa8: {  	s5 =	sshll.u32 s28, $0x1;
	[dreg:$0x2] =	wrdreg s3  }
0xa9: {  	[dreg:$0x3] =	wrdreg s5  }
0xaa: {  	[dreg:$0x4] =	wrdreg $0xC0  }
0xab: {  	_ =	task [dreg:s7], $0x5FFFF  }
0xac: {  	[dreg:$0x1] =	wrdreg $0xFFFFFFFF  }
0xad: {  	[dreg:$0x0] =	wrdreg $0x60  }
0xae: {  	[dreg:$0x2] =	wrdreg s24  }
0xaf: {  	[dreg:$0x3] =	wrdreg s2  }
0xb0: {  	[dreg:$0x4] =	wrdreg $0x9  }
0xb1: {  	_ =	task.clear_ibuf [dreg:s7], $0x5FFFF;
	_ =	strace $0x90000046  }
0xb2: {  	s29 =	simm.s32 $0x9;
	_ =	strace $0x80000048  }
0xb3: {  	_ =	swait.ge [sflag:s29], $0x1  }
0xb4: {  	[sflag:s29] =	ssyncadd.s32 $0xFFFFFFFF  }
0xb5: {  	_ =	strace $0x90000048  }
0xb6: {  	_ =	sfence  }
0xb7: {  	s30 =	sld [smem:$0x0];
	_ =	sdelay $0x2  }
0xb8: {  	s31 =	sshll.u32 s1, $0xD;
	s1 =	sshrl.u32 s1, $0x2  }
0xb9: {  	s3 =	sand.u32 $0x4000, s31;
	s1 =	sadd.s32 s1, s30  }
0xba: {  	s0 =	sor.u32 s3, s0;
	s1 =	sshll.u32 s1, $0x11  }
0xbb: {  	s0 =	sor.u32 s1, s0  }
0xbc: {  	s0 =	sadd.s32 $0x8F2B, s0  }
0xbd: {  	[sflag:s0] =	ssyncadd.remote.s32 $0x1  }
0xbe: {  	_ =	sfence.sel $0xFFFF  }
0xbf: {  	[dreg:$0x0] =	wrdreg $0xFFFFFFFF;
	(pc) =	sbr.abs _section_cstart, $3  }
0xc0: {  	[dreg:$0x1] =	wrdreg $0xFFFFFFFF  }
0xc1: {  	_ =	task.clear_ibuf [dreg:s7], $0x2FFFF;
	_ =	strace $0x9FFFFFFF  }
0xc2: {  	(tm) =	ssettm $0x7FFFFFFF  }
0xc3: {  	_ =	shalt  }
tec
execute0_lowered:
.L_overlay_start_1:
0x0: {  	(tag) =	ssettag $0x1  }
0x1: {  	s0 =	srdreg.scid;
	s3 =	rddreg [dreg:$0x0]  }
0x2: {  	s5 =	rddreg [dreg:$0x1];
	s4 =	sand.u32 $0x1, s0  }
0x3: {  	s1 =	stileid.u32;
	s8 =	simm.s32 $0x0;
	s2 =	sshll.u32 s4, $0x4  }
0x4: {  	s4 =	ssub.s32 $0x2, s4;
	s6 =	sor.u32 s1, s2;
	s2 =	simm.s32 $0x0  }
0x5: {  	s7 =	sshrl.u32 s4, $0x1;
	s6 =	smul.u32 $0x500, s6;
	[smem:$0x7FF] =	sst s2  }
0x6: {  	s0 =	rddreg [dreg:$0x2];
	s7 =	ssub.s32 s4, s7;
	_ =	strace $0x80000047  }
0x7: {  	s3 =	sadd.s32 s6, s3;
	s4 =	sadd.s32 s5, s6;
	s5 =	smax.u32 s7, $0x1  }
0x8: {  	v0 =	vimm.f32 $0.0e+00;
	v1 =	vimm.f32 $1.000000000e+00;
	s6 =	simm.s32 $0x1;
	s7 =	simm.s32 $0x2800;
	s3 =	sadd.s32 $0x1200, s3  }
.LBB2_1:
0x9: {  	[tilespmem:s2], [sflag:$0x1] =	stream.linear.gather [hbm4b:s3+s2], $0x2780, $0x38;
	[tilespmem:$0x5000] =	vst v63  }
0xa: {  	_ =	swait.ge [sflag:s6], $0x2780  }
0xb: {  	[sflag:s6] =	ssyncset.done $0x0  }
0xc: {  	s9 =	simm.s32 $0x0;
	s10 =	simm.s32 $0x0;
	[sflag:s6] =	ssyncadd.s32 $0xFFFFD880  }
.LBB2_2:
0xd: {  	p0 =	sne.s32 s10, $0x9DC0  }
.Ltmp0:
0xe: {  	_ = 	snop;
	(pc) =	sbr.rel @p0 .LBB2_2-.Ltmp0, $4  }
0xf: {  	s11 =	sand.u32 $0xFE00, s10  }
0x10: {  	s12 =	sand.u32 $0x70, s9;
	s11 =	sshrl.u32 s11, $0x2  }
0x11: {  	s11 =	sor.u32 s12, s11  }
0x12: {  	s9 =	sadd.s32 $0x10, s9;
	s10 =	sadd.s32 $0x40, s10;
	[tilespmem:s11+$0x2800] =	vst v0  }
0x13: {  	s9 =	simm.s32 $0x0  }
0x14: {  	s10 =	sand.u32 $0xFE00, s9  }
0x15: {  	s9 =	sand.u32 $0x70, s9;
	s10 =	sshrl.u32 s10, $0x2  }
0x16: {  	s9 =	sor.u32 s9, s10  }
0x17: {  	v2 =	vld [tilespmem:s9+$0x0];
	_ =	sdelay $0x4  }
0x18: {  	s11 =	simm.s32 $0x40  }
0x19: {  	s11 =	sand.u32 $0xFE00, s11;
	s10 =	simm.s32 $0x80;
	s9 =	simm.s32 $0x10  }
.LBB2_4:
0x1a: {  	p0 =	sne.s32 s10, $0x9DC0;
	s12 =	sand.u32 $0x70, s9;
	s11 =	sshrl.u32 s11, $0x2  }
0x1b: {  	s11 =	sor.u32 s12, s11;
	[tilespmem:v2+s7+$0x0] =	vst.idx.add.f32.msk $0xffff, v1  }
0x1c: {  	v2 =	vld [tilespmem:s11+$0x0];
	_ =	sdelay $0x1  }
.Ltmp1:
0x1d: {  	(pc) =	sbr.rel @p0 .LBB2_4-.Ltmp1, $2  }
0x1e: {  	_ =	sdelay $0x2  }
0x1f: {  	s9 =	sadd.s32 $0x10, s9;
	s11 =	sand.u32 $0xFE00, s10;
	s10 =	sadd.s32 $0x40, s10  }
0x20: {  	_ =	sdelay $0x2  }
0x21: {  	s9 =	sand.u32 $0x70, s9;
	s10 =	sshrl.u32 s11, $0x2  }
0x22: {  	[tilespmem:v2+s7+$0x0] =	vst.idx.add.f32.msk $0xffff, v1;
	s9 =	sor.u32 s9, s10  }
0x23: {  	v2 =	vld [tilespmem:s9+$0x0];
	_ =	sdelay $0x5  }
0x24: {  	s8 =	sadd.s32 $0x1, s8  }
0x25: {  	p0 =	sne.s32 s8, s5  }
.Ltmp2:
0x26: {  	[tilespmem:v2+s7+$0x0] =	vst.idx.add.f32.msk $0xffff, v1;
	(pc) =	sbr.rel @p0 .LBB2_1-.Ltmp2, $4  }
0x27: {  	[hbm4b:s4+s2] =	stream.linear.scatter [tilespmem:s7], [sflag:$0x1], $0x2780, $0x38;
	[tilespmem:$0x5000] =	vst v63  }
0x28: {  	_ =	swait.ge [sflag:s6], $0x2780  }
0x29: {  	[sflag:s6] =	ssyncset.done $0x0  }
0x2a: {  	[sflag:s6] =	ssyncadd.s32 $0xFFFFD880  }
0x2b: {  	_ =	sfence.sel $0x180000  }
0x2c: {  	[bflag:$0x0] =	sbarrier.arrive $0xFFFF  }
0x2d: {  	p0 =	sne.s32 s1, $0x0;
	_ =	strace $0x90000047  }
0x2e: {  	s0 =	sadd.s32 @!p0 $0x100000, s0;
	[bflag:$0x2] =	sbarrier.arrive $0xFFFF  }
0x2f: {  	[sflag:s0] =	ssyncadd.tile.s32 @!p0 $0x1;
	_ =	shalt  }
.Lfunc_end2:
_tile_overlayer_lowered:
.L_overlay_start_2:
0x30: {  	(tag) =	ssettag $0x2  }
0x31: {  	s0 =	rddreg [dreg:$0x0];
	s2 =	stileid.u32  }
0x32: {  	s1 =	rddreg [dreg:$0x1];
	p0 =	sne.s32 s2, $0x0  }
0x33: {  	s3 =	rddreg [dreg:$0x2];
	[bflag:$0x3] =	sbarrier.arrive $0xFFFF;
	s2 =	simm.s32 @!p0 $0x1C01  }
0x34: {  	[timem:s3], [sflag:s2] =	dma.local @!p0 [hbm:s0], s1  }
0x35: {  	s0 =	simm.s32 @!p0 $0x1  }
0x36: {  	_ =	swait.ge @!p0 [sflag:s0], s1  }
0x37: {  	s1 =	ssub.s32 @!p0 $0x0, s1;
	[sflag:s0] =	ssyncset.done @!p0 $0x0  }
0x38: {  	[sflag:s0] =	ssyncadd.s32 @!p0 s1  }
0x39: {  	[bflag:$0x3] =	sbarrier.arrive $0xFFFF  }
0x3a: {  	_ =	shalt  }

// kernel: kernel.13.cloned.1.call-start
scs
__scs_entry_jumppad:
0x0: {  	(pc) =	sbr.rel $0x88, $3  }
0x1: {  	(tag) =	ssettag $0x0;
	lr =	simm.s32 $0x1  }
0x2: {  	[smem:$0x3F9F] =	sst lr;
	_ =	strace $0xD0000000  }
0x3: {  	_ = 	snop  }
0x4: {  	_ = 	snop  }
0x5: {  	_ = 	snop  }
0x6: {  	_ = 	snop  }
0x7: {  	_ = 	snop  }
__scs_overlays_trampoline_lowered:
0x8: {  	[smem:$0x3FAE] =	sst s0  }
0x9: {  	[smem:$0x3FAF] =	sst s1  }
0xa: {  	[smem:$0x3FB0] =	sst s2  }
0xb: {  	[smem:$0x3FB1] =	sst s3  }
0xc: {  	[smem:$0x3FB2] =	sst s4  }
0xd: {  	[smem:$0x3FB3] =	sst s5  }
0xe: {  	[smem:$0x3FB4] =	sst s6  }
0xf: {  	[smem:$0x3FB5] =	sst s7  }
0x10: {  	[smem:$0x3FB6] =	sst s8  }
0x11: {  	[smem:$0x3FB7] =	sst s9;
	s0 =	simm.s32 @!p0 $0x0  }
0x12: {  	s1 =	sld [smem:$0x3F9D];
	s0 =	simm.s32 @p0 $0x1  }
0x13: {  	[smem:$0x3FB8] =	sst s0;
	s0 =	simm.s32 @!p1 $0x0  }
0x14: {  	s2 =	sld [smem:$0x3F9C];
	s0 =	simm.s32 @p1 $0x1  }
0x15: {  	[smem:$0x3FB9] =	sst s0;
	s0 =	simm.s32 @!p2 $0x0  }
0x16: {  	s3 =	sld [smem:$0x3FDB];
	s0 =	simm.s32 @p2 $0x1  }
0x17: {  	s4 =	simm.s32 $0x1BF5;
	[smem:$0x3FBB] =	sst s0  }
0x18: {  	s0 =	sld [smem:$0x3F9E];
	_ =	swait.ge [sflag:s4], $0x0  }
0x19: {  	s7 =	sld [smem:$0x3F9F]  }
0x1a: {  	s8 =	sadd.s32 $0xFFFFE003, lr  }
0x1b: {  	s9 =	sadd.s32 $0xFFFFFEF7, lr;
	s5 =	simm.s32 $0xFFFFFFFF;
	p2 =	slt.u32 s8, $0xFFFFF086  }
0x1c: {  	p1 =	slt.u32 s9, $0xF7A;
	s5 =	simm.s32 @!p2 $0x0  }
0x1d: {  	s5 =	simm.s32 @p1 $0x1;
	p0 =	seq.s32 s7, s2  }
0x1e: {  	s7 =	smul.u32 @!p0 $0xF7A, s2;
	p2 =	seq.s32 @!p0 s5, $0x0  }
0x1f: {  	s9 =	smul.u32 $0xF7A, s1;
	s8 =	simm.s32 @!p0 $0x1BF5;
	p2 =	por !p2, p0  }
0x20: {  	[sflag:s8] =	ssyncset.s32 @!p0 $0xFFFFF086;
	s6 =	sadd.s32 @!p0 s3, s7;
	s7 =	simm.s32 @!p0 $0x108  }
0x21: {  	s3 =	sadd.s32 s3, s9;
	s6 =	sadd.s32 @!p0 $0x88, s6;
	s7 =	simm.s32 @p2 $0x1082  }
0x22: {  	[simem:s7], [sflag:s8] =	dma.local @!p0 [hbm:s6], $0xF7A  }
0x23: {  	s9 =	sor.u32 $0xD0000000, s2;
	s6 =	simm.s32 $0x108;
	_ =	swait.ge @!p0 [sflag:s8], $0x0  }
0x24: {  	s3 =	sadd.s32 $0x88, s3;
	s6 =	simm.s32 @!p1 $0x1082;
	[sflag:s4] =	ssyncset.s32 $0xFFFFF086  }
0x25: {  	[simem:s6], [sflag:s4] =	dma.local [hbm:s3], $0xF7A  }
0x26: {  	[smem:$0x3F9F] =	sst s1;
	(tag) =	ssettag s2;
	_ =	strace s9  }
0x27: {  	s1 =	sld [smem:$0x3FAF]  }
0x28: {  	s2 =	sld [smem:$0x3FB0]  }
0x29: {  	s4 =	sld [smem:$0x3FB2]  }
0x2a: {  	p0 =	seq.s32 s5, $0x0;
	s5 =	sld [smem:$0x3FB3]  }
0x2b: {  	s6 =	sld [smem:$0x3FB4]  }
0x2c: {  	s7 =	sld [smem:$0x3FB5]  }
0x2d: {  	s3 =	simm.s32 $0x108;
	s8 =	sld [smem:$0x3FB6]  }
0x2e: {  	s3 =	simm.s32 @!p0 $0x1082;
	s9 =	sld [smem:$0x3FB7]  }
0x2f: {  	lr =	sadd.s32 s0, s3;
	s0 =	sld [smem:$0x3FAE]  }
0x30: {  	s3 =	sld [smem:$0x3FB1]  }
0x31: {  	[smem:$0x3FBA] =	sst s10  }
0x32: {  	s10 =	sld [smem:$0x3FB8];
	_ =	sdelay $0x3  }
0x33: {  	p0 =	seq.s32 s10, $0x1;
	s10 =	sld [smem:$0x3FBA];
	_ =	sdelay $0x3  }
0x34: {  	[smem:$0x3FBA] =	sst s10  }
0x35: {  	s10 =	sld [smem:$0x3FB9];
	_ =	sdelay $0x3  }
0x36: {  	p1 =	seq.s32 s10, $0x1;
	s10 =	sld [smem:$0x3FBA];
	_ =	sdelay $0x3  }
0x37: {  	[smem:$0x3FBA] =	sst s10  }
0x38: {  	s10 =	sld [smem:$0x3FBB]  }
0x39: {  	_ = 	snop;
	(pc) =	sbr.ind lr, $3  }
0x3a: {  	_ = 	snop  }
0x3b: {  	_ = 	snop  }
0x3c: {  	p2 =	seq.s32 s10, $0x1;
	s10 =	sld [smem:$0x3FBA]  }
0x3d: {  	_ =	shalt  }
0x3e: {  	_ =	shalt  }
0x3f: {  	_ =	shalt  }
0x40: {  	_ =	shalt  }
0x41: {  	_ =	shalt  }
0x42: {  	_ =	shalt  }
0x43: {  	_ =	shalt  }
0x44: {  	_ =	shalt  }
0x45: {  	_ =	shalt  }
0x46: {  	_ =	shalt  }
0x47: {  	_ =	shalt  }
0x48: {  	_ =	shalt  }
0x49: {  	_ =	shalt  }
0x4a: {  	_ =	shalt  }
0x4b: {  	_ =	shalt  }
0x4c: {  	_ =	shalt  }
0x4d: {  	_ =	shalt  }
0x4e: {  	_ =	shalt  }
0x4f: {  	_ =	shalt  }
0x50: {  	_ =	shalt  }
0x51: {  	_ =	shalt  }
0x52: {  	_ =	shalt  }
0x53: {  	_ =	shalt  }
0x54: {  	_ =	shalt  }
0x55: {  	_ =	shalt  }
0x56: {  	_ =	shalt  }
0x57: {  	_ =	shalt  }
0x58: {  	_ =	shalt  }
0x59: {  	_ =	shalt  }
0x5a: {  	_ =	shalt  }
0x5b: {  	_ =	shalt  }
0x5c: {  	_ =	shalt  }
0x5d: {  	_ =	shalt  }
0x5e: {  	_ =	shalt  }
0x5f: {  	_ =	shalt  }
0x60: {  	_ =	shalt  }
0x61: {  	_ =	shalt  }
0x62: {  	_ =	shalt  }
0x63: {  	_ =	shalt  }
0x64: {  	_ =	shalt  }
0x65: {  	_ =	shalt  }
0x66: {  	_ =	shalt  }
0x67: {  	_ =	shalt  }
0x68: {  	_ =	shalt  }
0x69: {  	_ =	shalt  }
0x6a: {  	_ =	shalt  }
0x6b: {  	_ =	shalt  }
0x6c: {  	_ =	shalt  }
0x6d: {  	_ =	shalt  }
0x6e: {  	_ =	shalt  }
0x6f: {  	_ =	shalt  }
0x70: {  	_ =	shalt  }
0x71: {  	_ =	shalt  }
0x72: {  	_ =	shalt  }
0x73: {  	_ =	shalt  }
0x74: {  	_ =	shalt  }
0x75: {  	_ =	shalt  }
0x76: {  	_ =	shalt  }
0x77: {  	_ =	shalt  }
0x78: {  	_ =	shalt  }
0x79: {  	_ =	shalt  }
0x7a: {  	_ =	shalt  }
0x7b: {  	_ =	shalt  }
0x7c: {  	_ =	shalt  }
0x7d: {  	_ =	shalt  }
0x7e: {  	_ =	shalt  }
0x7f: {  	_ =	shalt  }
0x80: {  	_ =	shalt  }
0x81: {  	_ =	shalt  }
0x82: {  	_ =	shalt  }
0x83: {  	_ =	shalt  }
0x84: {  	_ =	shalt  }
0x85: {  	_ =	shalt  }
0x86: {  	_ =	shalt  }
0x87: {  	_ =	shalt  }
.Lfunc_end0:
.L_simem_size_0:
called_computation.1_lowered:
.L_overlay_start_0:
0x88: {  	s2 =	sld [smem:$0x3FD9]  }
0x89: {  	s3 =	sld [smem:$0x3FFE];
	_ =	sdelay $0x1  }
0x8a: {  	s1 =	srdreg.scid  }
0x8b: {  	s0 =	sand.u32 $0x1, s1  }
0x8c: {  	s17 =	sshll.u32 s0, $0xA;
	s2 =	sadd.s32 s3, s2  }
0x8d: {  	s2 =	sadd.s32 s2, s17  }
0x8e: {  	[smem:$0x3FC6] =	sst s2  }
0x8f: {  	_ = 	snop  }
0x90: {  	s18 =	sld [smem:$0x3FC9];
	(tm) =	ssettm $0x1  }
0x91: {  	s19 =	sld [smem:$0x3FFB];
	_ =	sdelay $0x3  }
0x92: {  	_ =	strace s19  }
0x93: {  	s2 =	sld [smem:$0x3FFC];
	_ =	sdelay $0x3  }
0x94: {  	_ =	strace s2  }
0x95: {  	s2 =	sld [smem:$0x3FFD];
	_ =	sdelay $0x3  }
0x96: {  	_ =	strace s2  }
0x97: {  	_ =	strace $0x8FFFFFFF  }
0x98: {  	s20 =	sld [smem:$0x3FDB];
	_ =	sdelay $0x1  }
0x99: {  	s4 =	simm.s32 $_scs_section_size  }
0x9a: {  	s5 =	simm.s32 $_size__tile_overlayer_lowered;
	s6 =	simm.s32 $_tile_overlayer_lowered  }
0x9b: {  	s7 =	simm.s32 $0x1BFF;
	s21 =	sshll.u32 s6, $0x1;
	s4 =	sadd.s32 s4, s20  }
0x9c: {  	s22 =	simm.s32 $0x0;
	s5 =	sshll.u32 s5, $0x1;
	s6 =	sadd.s32 s21, s4  }
0x9d: {  	[timem:s22], [sflag:s7] =	dma.local [hbm:s6], s5  }
0x9e: {  	_ =	swait.ge [sflag:s7], s5  }
0x9f: {  	s5 =	ssub.s32 $0x0, s5;
	[sflag:s7] =	ssyncset.done $0x0  }
0xa0: {  	[sflag:s7] =	ssyncadd.s32 s5;
	_ =	sdelay $0x1  }
0xa1: {  	s23 =	simm.s32 $0x1B8B  }
0xa2: {  	_ =	swait.ge [sflag:s23], $0x1  }
0xa3: {  	[sflag:s23] =	ssyncset.done $0x0  }
0xa4: {  	[sflag:s23] =	ssyncadd.s32 $0xFFFFFFFF  }
0xa5: {  	s5 =	sld [smem:$0x0]  }
0xa6: {  	s6 =	sand.u32 $0xFFFFFFFE, s1  }
0xa7: {  	p0 =	sne.s32 s1, s6  }
0xa8: {  	s6 =	sshll.u32 @p0 s6, $0xE  }
0xa9: {  	s6 =	sadd.s32 @p0 $0x11B8D, s6;
	s7 =	sshll.u32 @p0 s5, $0x11  }
0xaa: {  	s6 =	sor.u32 @p0 s7, s6  }
0xab: {  	[sflag:s6] =	ssyncadd.remote.s32 @p0 $0x1;
	_ =	sdelay $0x1  }
0xac: {  	s6 =	simm.s32 @p0 $0x1B8D  }
0xad: {  	_ =	swait.eq @p0 [sflag:s6], $0x1  }
0xae: {  	[sflag:s6] =	ssyncadd.s32 @p0 $0xFFFFFFFF  }
0xaf: {  	s7 =	sshll.u32 @!p0 s1, $0xE  }
0xb0: {  	s7 =	sor.u32 @!p0 $0x4000, s7;
	s6 =	simm.s32 @!p0 $0x1B8D  }
0xb1: {  	s5 =	sshll.u32 @!p0 s5, $0x11;
	s7 =	sadd.s32 @!p0 $0x11B8D, s7;
	_ =	swait.eq @!p0 [sflag:s6], $0x1  }
0xb2: {  	s5 =	sor.u32 @!p0 s5, s7;
	[sflag:s6] =	ssyncadd.s32 @!p0 $0xFFFFFFFF  }
0xb3: {  	s25 =	simm.s32 $0x1B8E;
	s24 =	sld [smem:$0x3FFE];
	[sflag:s5] =	ssyncadd.remote.s32 @!p0 $0x1  }
0xb4: {  	s26 =	simm.s32 $execute0_lowered;
	[smem:$0x3FD2] =	sst s25  }
0xb5: {  	s6 =	sshll.u32 s26, $0x1;
	_ =	strace $0x80000049;
	[dreg:$0x1] =	wrdreg $0xFFFFFFFF  }
0xb6: {  	s28 =	simm.s32 $_size_execute0_lowered;
	s4 =	sadd.s32 s4, s6;
	[dreg:$0x0] =	wrdreg $0x0  }
0xb7: {  	s6 =	sshll.u32 s28, $0x1;
	[dreg:$0x2] =	wrdreg s4  }
0xb8: {  	[dreg:$0x3] =	wrdreg s6  }
0xb9: {  	[dreg:$0x4] =	wrdreg $0xC0  }
0xba: {  	_ =	task [dreg:s22], $0x5FFFF  }
0xbb: {  	[dreg:$0x1] =	wrdreg $0xFFFFFFFF  }
0xbc: {  	[dreg:$0x0] =	wrdreg $0x60  }
0xbd: {  	[dreg:$0x2] =	wrdreg s24  }
0xbe: {  	[dreg:$0x3] =	wrdreg s18  }
0xbf: {  	[dreg:$0x4] =	wrdreg $0x90000  }
0xc0: {  	[dreg:$0x5] =	wrdreg $0xA  }
0xc1: {  	_ =	task.clear_ibuf [dreg:s22], $0x6FFFF;
	_ =	strace $0x90000049  }
0xc2: {  	s29 =	simm.s32 $0xA;
	_ =	strace $0x8000004B  }
0xc3: {  	_ =	swait.ge [sflag:s29], $0x1  }
0xc4: {  	[sflag:s29] =	ssyncadd.s32 $0xFFFFFFFF  }
0xc5: {  	_ =	strace $0x9000004B  }
0xc6: {  	_ =	sfence  }
0xc7: {  	s30 =	sld [smem:$0x0];
	_ =	sdelay $0x2  }
0xc8: {  	s31 =	sshll.u32 s1, $0xD;
	s1 =	sshrl.u32 s1, $0x2  }
0xc9: {  	s4 =	sand.u32 $0x4000, s31;
	s1 =	sadd.s32 s1, s30  }
0xca: {  	s0 =	sor.u32 s4, s0;
	s1 =	sshll.u32 s1, $0x11  }
0xcb: {  	s0 =	sor.u32 s1, s0  }
0xcc: {  	s0 =	sadd.s32 $0x8F2B, s0  }
0xcd: {  	[sflag:s0] =	ssyncadd.remote.s32 $0x1  }
0xce: {  	_ =	sfence.sel $0xFFFF  }
0xcf: {  	[dreg:$0x0] =	wrdreg $0xFFFFFFFF;
	(pc) =	sbr.abs _section_cstart, $3  }
0xd0: {  	[dreg:$0x1] =	wrdreg $0xFFFFFFFF  }
0xd1: {  	_ =	task.clear_ibuf [dreg:s22], $0x2FFFF;
	_ =	strace $0x9FFFFFFF  }
0xd2: {  	(tm) =	ssettm $0x7FFFFFFF  }
0xd3: {  	_ =	shalt  }
tec
execute0_lowered:
.L_overlay_start_1:
0x0: {  	(tag) =	ssettag $0x1  }
0x1: {  	s5 =	rddreg [dreg:$0x0]  }
0x2: {  	s0 =	srdreg.scid;
	s2 =	rddreg [dreg:$0x1]  }
0x3: {  	s3 =	rddreg [dreg:$0x2];
	s1 =	stileid.u32  }
0x4: {  	s4 =	simm.s32 $0x0;
	s16 =	simm.s32 $0x2800;
	s17 =	simm.s32 $0x5000  }
0x5: {  	s18 =	simm.s32 $0x80;
	s6 =	sand.u32 $0x1, s0;
	s0 =	rddreg [dreg:$0x3]  }
0x6: {  	s22 =	simm.s32 $0x0;
	[smem:$0x7FF] =	sst s4;
	s8 =	smul.u32 $0x50000, s1  }
0x7: {  	s12 =	sadd.s32 $0x15200, s5;
	s11 =	smul.u32 $0x14000, s1;
	s19 =	sadd.s32 $0x12C000, s3  }
0x8: {  	p0 =	seq.s32 s1, $0xF;
	s7 =	sshll.u32 s6, $0x4;
	_ =	strace $0x8000004A  }
0x9: {  	s31 =	ssub.s32 $0x2, s6;
	s10 =	smul.u32 $0x138800, s6;
	s19 =	sshrl.u32 @p0 s19, $0x3  }
0xa: {  	s20 =	sshll.u32 @!p0 s1, $0x6;
	s7 =	sor.u32 s1, s7;
	s9 =	sshrl.u32 s31, $0x1  }
0xb: {  	s8 =	sshrl.u32 s8, $0x2;
	s20 =	sor.u32 @!p0 $0x1C01, s20;
	s7 =	smul.u32 $0x500, s7  }
0xc: {  	s14 =	ssub.s32 s31, s9;
	s11 =	sadd.s32 s11, s10;
	s13 =	sshrl.u32 s10, $0x3  }
0xd: {  	s15 =	sshrl.u32 s11, $0x3;
	s13 =	sadd.s32 s12, s13;
	s14 =	smax.u32 s14, $0x1  }
0xe: {  	s7 =	sadd.s32 s7, s5;
	s5 =	sadd.s32 s8, s3;
	s12 =	sadd.s32 s12, s15  }
0xf: {  	s13 =	sadd.s32 $0x25800, s13;
	s15 =	simm.s32 $0x1;
	s6 =	sadd.s32 $0xB200, s7  }
0x10: {  	s7 =	sadd.s32 $0x1200, s7;
	s8 =	sadd.s32 $0x4000, s5;
	s9 =	sadd.s32 $0x8000, s5  }
0x11: {  	v0 =	vimm.f32 $0.0e+00;
	s10 =	sadd.s32 $0xC000, s5;
	s11 =	sadd.s32 $0x10000, s5;
	s21 =	sshrl.u32 @!p0 s5, $0x3  }
.LBB2_1:
0x12: {  	[tilespmem:s4], [sflag:$0x1] =	stream.linear.gather [hbm4b:s6+s4], $0x2780, $0x38;
	[tilespmem:$0x1D000] =	vst v63  }
0x13: {  	_ =	swait.ge [sflag:s15], $0x2780  }
0x14: {  	[sflag:s15] =	ssyncset.done $0x0  }
0x15: {  	[sflag:s15] =	ssyncadd.s32 $0xFFFFD880  }
0x16: {  	[tilespmem:s16], [sflag:$0x1] =	stream.linear.gather [hbm4b:s7+s4], $0x2780, $0x38;
	[tilespmem:$0x1D000] =	vst v63  }
0x17: {  	s23 =	sand.u32 $0xFE00, s4;
	s24 =	sand.u32 $0x70, s4;
	_ =	swait.ge [sflag:s15], $0x2780  }
0x18: {  	s25 =	sshrl.u32 s23, $0x2;
	s23 =	simm.s32 $0x40;
	[sflag:s15] =	ssyncset.done $0x0  }
0x19: {  	s25 =	sor.u32 s24, s25;
	s24 =	simm.s32 $0x0;
	[sflag:s15] =	ssyncadd.s32 $0xFFFFD880  }
.LBB2_2:
0x1a: {  	p1 =	sne.s32 s23, $0xFFC0  }
0x1b: {  	[tilespmem:s25+$0x5000] =	vst v0;
	s24 =	sadd.s32 $0x10, s24;
	s25 =	smov.u32 s23;
	s23 =	sadd.s32 $0x40, s23  }
.Ltmp0:
0x1c: {  	(pc) =	sbr.rel @p1 .LBB2_2-.Ltmp0, $4  }
0x1d: {  	_ = 	snop  }
0x1e: {  	s25 =	sand.u32 $0xFE00, s25  }
0x1f: {  	s26 =	sand.u32 $0x70, s24;
	s25 =	sshrl.u32 s25, $0x2  }
0x20: {  	s25 =	sor.u32 s26, s25  }
0x21: {  	[tilespmem:s25+$0x5000] =	vst v0  }
0x22: {  	[spmem:s5] =	stream.linear.scatter [tilespmem:s17], [sflag:$0x1], $0x4000, $0x38;
	[tilespmem:$0x1D000] =	vst v63  }
0x23: {  	_ =	swait.ge [sflag:s15], $0x4000  }
0x24: {  	[sflag:s15] =	ssyncset.done $0x0  }
0x25: {  	[sflag:s15] =	ssyncadd.s32 $0xFFFFC000  }
0x26: {  	[spmem:s8] =	stream.linear.scatter [tilespmem:s17], [sflag:$0x1], $0x4000, $0x38;
	[tilespmem:$0x1D000] =	vst v63  }
0x27: {  	_ =	swait.ge [sflag:s15], $0x4000  }
0x28: {  	[sflag:s15] =	ssyncset.done $0x0  }
0x29: {  	[sflag:s15] =	ssyncadd.s32 $0xFFFFC000  }
0x2a: {  	[spmem:s9] =	stream.linear.scatter [tilespmem:s17], [sflag:$0x1], $0x4000, $0x38;
	[tilespmem:$0x1D000] =	vst v63  }
0x2b: {  	_ =	swait.ge [sflag:s15], $0x4000  }
0x2c: {  	[sflag:s15] =	ssyncset.done $0x0  }
0x2d: {  	[sflag:s15] =	ssyncadd.s32 $0xFFFFC000  }
0x2e: {  	[spmem:s10] =	stream.linear.scatter [tilespmem:s17], [sflag:$0x1], $0x4000, $0x38;
	[tilespmem:$0x1D000] =	vst v63  }
0x2f: {  	_ =	swait.ge [sflag:s15], $0x4000  }
0x30: {  	[sflag:s15] =	ssyncset.done $0x0  }
0x31: {  	[sflag:s15] =	ssyncadd.s32 $0xFFFFC000  }
0x32: {  	[spmem:s11] =	stream.linear.scatter [tilespmem:s17], [sflag:$0x1], $0x4000, $0x38;
	[tilespmem:$0x1D000] =	vst v63  }
0x33: {  	_ =	swait.ge [sflag:s15], $0x4000  }
0x34: {  	[sflag:s15] =	ssyncset.done $0x0  }
0x35: {  	[sflag:s15] =	ssyncadd.s32 $0xFFFFC000  }
0x36: {  	s23 =	simm.s32 $0x0;
	[bflag:$0x0] =	sbarrier.arrive $0xFFFF  }
0x37: {  	[tilespmem:s17], [sflag:$0x1] =	stream.indirect.gather [hbm4b:s2+s18], $0x80, s23, s18, $0xb8;
	[tilespmem:$0x1D000] =	vst v63  }
0x38: {  	_ =	swait.ge [sflag:s15], $0x4000  }
0x39: {  	[sflag:s15] =	ssyncset.done $0x0  }
0x3a: {  	s31 =	simm.s32 $0x2800;
	[sflag:s15] =	ssyncadd.s32 $0xFFFFC000  }
0x3b: {  	[spmem:s3] =	stream.indirect.scatter.add.f32 [tilespmem:s17], [sflag:$0x1], $0x80, s31, s18, $0xb8;
	[tilespmem:$0x1D000] =	vst v63  }
0x3c: {  	_ =	swait.ge [sflag:s15], $0x4000  }
0x3d: {  	s24 =	simm.s32 $0x400;
	s23 =	simm.s32 $0x200;
	[sflag:s15] =	ssyncset.done $0x0  }
.LBB2_4:
0x3e: {  	s25 =	sshra.s32 s23, $0x2  }
0x3f: {  	[sflag:s15] =	ssyncadd.s32 $0xFFFFC000;
	s23 =	smov.u32 s24;
	s26 =	sadd.s32 $0x200, s24  }
0x40: {  	[tilespmem:s17], [sflag:$0x1] =	stream.indirect.gather [hbm4b:s2+s18], $0x80, s25, s18, $0xb8;
	[tilespmem:$0x1D000] =	vst v63  }
0x41: {  	p1 =	sne.s32 s24, $0x9C00;
	_ =	swait.ge [sflag:s15], $0x4000  }
.Ltmp1:
0x42: {  	[sflag:s15] =	ssyncset.done $0x0;
	(pc) =	sbr.rel @p1 .LBB2_4-.Ltmp1, $4  }
0x43: {  	s24 =	sadd.s32 $0x2800, s25;
	[sflag:s15] =	ssyncadd.s32 $0xFFFFC000  }
0x44: {  	[spmem:s3] =	stream.indirect.scatter.add.f32 [tilespmem:s17], [sflag:$0x1], $0x80, s24, s18, $0xb8;
	[tilespmem:$0x1D000] =	vst v63  }
0x45: {  	_ =	swait.ge [sflag:s15], $0x4000  }
0x46: {  	s24 =	smov.u32 s26;
	[sflag:s15] =	ssyncset.done $0x0  }
0x47: {  	s23 =	sshra.s32 s23, $0x2;
	[sflag:s15] =	ssyncadd.s32 $0xFFFFC000  }
0x48: {  	[tilespmem:s17], [sflag:$0x1] =	stream.indirect.gather [hbm4b:s2+s18], $0x80, s23, s18, $0xb8;
	[tilespmem:$0x1D000] =	vst v63  }
0x49: {  	_ =	swait.ge [sflag:s15], $0x4000  }
0x4a: {  	[sflag:s15] =	ssyncset.done $0x0  }
0x4b: {  	s23 =	sadd.s32 $0x2800, s23;
	[sflag:s15] =	ssyncadd.s32 $0xFFFFC000  }
0x4c: {  	[spmem:s3] =	stream.indirect.scatter.add.f32 [tilespmem:s17], [sflag:$0x1], $0x80, s23, s18, $0xb8;
	[tilespmem:$0x1D000] =	vst v63  }
0x4d: {  	_ =	swait.ge [sflag:s15], $0x4000  }
0x4e: {  	[sflag:s15] =	ssyncset.done $0x0  }
0x4f: {  	[sflag:s15] =	ssyncadd.s32 $0xFFFFC000  }
0x50: {  	s23 =	simm.s32 @p0 $0x1FC1;
	[bflag:$0x0] =	sbarrier.arrive $0xFFFF  }
0x51: {  	[hbm:s13], [sflag:s23] =	dma.local @p0 [spmem:s19], $0x1900  }
0x52: {  	s23 =	simm.s32 @p0 $0x1  }
0x53: {  	s22 =	sadd.s32 $0x1, s22;
	_ =	swait.ge @p0 [sflag:s23], $0x1900  }
0x54: {  	p1 =	sne.s32 s22, s14;
	[sflag:s23] =	ssyncset.done @p0 $0x0  }
.Ltmp2:
0x55: {  	[sflag:s23] =	ssyncadd.s32 @p0 $0xFFFFE700;
	s23 =	simm.s32 @!p0 $0x1;
	(pc) =	sbr.rel @p1 .LBB2_1-.Ltmp2, $4  }
0x56: {  	[hbm:s12], [sflag:s20] =	dma.local @!p0 [spmem:s21], $0x2800  }
0x57: {  	_ =	swait.ge @!p0 [sflag:s23], $0x2800  }
0x58: {  	[sflag:s23] =	ssyncset.done @!p0 $0x0  }
0x59: {  	[sflag:s23] =	ssyncadd.s32 @!p0 $0xFFFFD800  }
0x5a: {  	_ =	sfence.sel $0x180000  }
0x5b: {  	[bflag:$0x0] =	sbarrier.arrive $0xFFFF  }
0x5c: {  	p0 =	sne.s32 s1, $0x0;
	_ =	strace $0x9000004A  }
0x5d: {  	s0 =	sadd.s32 @!p0 $0x100000, s0;
	[bflag:$0x2] =	sbarrier.arrive $0xFFFF  }
0x5e: {  	[sflag:s0] =	ssyncadd.tile.s32 @!p0 $0x1;
	_ =	shalt  }
.Lfunc_end2:
_tile_overlayer_lowered:
.L_overlay_start_2:
0x5f: {  	(tag) =	ssettag $0x2  }
0x60: {  	s0 =	rddreg [dreg:$0x0];
	s2 =	stileid.u32  }
0x61: {  	s1 =	rddreg [dreg:$0x1];
	p0 =	sne.s32 s2, $0x0  }
0x62: {  	s3 =	rddreg [dreg:$0x2];
	[bflag:$0x3] =	sbarrier.arrive $0xFFFF;
	s2 =	simm.s32 @!p0 $0x1C01  }
0x63: {  	[timem:s3], [sflag:s2] =	dma.local @!p0 [hbm:s0], s1  }
0x64: {  	s0 =	simm.s32 @!p0 $0x1  }
0x65: {  	_ =	swait.ge @!p0 [sflag:s0], s1  }
0x66: {  	s1 =	ssub.s32 @!p0 $0x0, s1;
	[sflag:s0] =	ssyncset.done @!p0 $0x0  }
0x67: {  	[sflag:s0] =	ssyncadd.s32 @!p0 s1  }
0x68: {  	[bflag:$0x3] =	sbarrier.arrive $0xFFFF  }
0x69: {  	_ =	shalt  }

// kernel: kernel.16.cloned.1.call-start
scs
__scs_entry_jumppad:
0x0: {  	(pc) =	sbr.rel $0x88, $3  }
0x1: {  	(tag) =	ssettag $0x0;
	lr =	simm.s32 $0x1  }
0x2: {  	[smem:$0x3F9F] =	sst lr;
	_ =	strace $0xD0000000  }
0x3: {  	_ = 	snop  }
0x4: {  	_ = 	snop  }
0x5: {  	_ = 	snop  }
0x6: {  	_ = 	snop  }
0x7: {  	_ = 	snop  }
__scs_overlays_trampoline_lowered:
0x8: {  	[smem:$0x3FAE] =	sst s0  }
0x9: {  	[smem:$0x3FAF] =	sst s1  }
0xa: {  	[smem:$0x3FB0] =	sst s2  }
0xb: {  	[smem:$0x3FB1] =	sst s3  }
0xc: {  	[smem:$0x3FB2] =	sst s4  }
0xd: {  	[smem:$0x3FB3] =	sst s5  }
0xe: {  	[smem:$0x3FB4] =	sst s6  }
0xf: {  	[smem:$0x3FB5] =	sst s7  }
0x10: {  	[smem:$0x3FB6] =	sst s8  }
0x11: {  	[smem:$0x3FB7] =	sst s9;
	s0 =	simm.s32 @!p0 $0x0  }
0x12: {  	s1 =	sld [smem:$0x3F9D];
	s0 =	simm.s32 @p0 $0x1  }
0x13: {  	[smem:$0x3FB8] =	sst s0;
	s0 =	simm.s32 @!p1 $0x0  }
0x14: {  	s2 =	sld [smem:$0x3F9C];
	s0 =	simm.s32 @p1 $0x1  }
0x15: {  	[smem:$0x3FB9] =	sst s0;
	s0 =	simm.s32 @!p2 $0x0  }
0x16: {  	s3 =	sld [smem:$0x3FDB];
	s0 =	simm.s32 @p2 $0x1  }
0x17: {  	s4 =	simm.s32 $0x1BF5;
	[smem:$0x3FBB] =	sst s0  }
0x18: {  	s0 =	sld [smem:$0x3F9E];
	_ =	swait.ge [sflag:s4], $0x0  }
0x19: {  	s7 =	sld [smem:$0x3F9F]  }
0x1a: {  	s8 =	sadd.s32 $0xFFFFE003, lr  }
0x1b: {  	s9 =	sadd.s32 $0xFFFFFEF7, lr;
	s5 =	simm.s32 $0xFFFFFFFF;
	p2 =	slt.u32 s8, $0xFFFFF086  }
0x1c: {  	p1 =	slt.u32 s9, $0xF7A;
	s5 =	simm.s32 @!p2 $0x0  }
0x1d: {  	s5 =	simm.s32 @p1 $0x1;
	p0 =	seq.s32 s7, s2  }
0x1e: {  	s7 =	smul.u32 @!p0 $0xF7A, s2;
	p2 =	seq.s32 @!p0 s5, $0x0  }
0x1f: {  	s9 =	smul.u32 $0xF7A, s1;
	s8 =	simm.s32 @!p0 $0x1BF5;
	p2 =	por !p2, p0  }
0x20: {  	[sflag:s8] =	ssyncset.s32 @!p0 $0xFFFFF086;
	s6 =	sadd.s32 @!p0 s3, s7;
	s7 =	simm.s32 @!p0 $0x108  }
0x21: {  	s3 =	sadd.s32 s3, s9;
	s6 =	sadd.s32 @!p0 $0x88, s6;
	s7 =	simm.s32 @p2 $0x1082  }
0x22: {  	[simem:s7], [sflag:s8] =	dma.local @!p0 [hbm:s6], $0xF7A  }
0x23: {  	s9 =	sor.u32 $0xD0000000, s2;
	s6 =	simm.s32 $0x108;
	_ =	swait.ge @!p0 [sflag:s8], $0x0  }
0x24: {  	s3 =	sadd.s32 $0x88, s3;
	s6 =	simm.s32 @!p1 $0x1082;
	[sflag:s4] =	ssyncset.s32 $0xFFFFF086  }
0x25: {  	[simem:s6], [sflag:s4] =	dma.local [hbm:s3], $0xF7A  }
0x26: {  	[smem:$0x3F9F] =	sst s1;
	(tag) =	ssettag s2;
	_ =	strace s9  }
0x27: {  	s1 =	sld [smem:$0x3FAF]  }
0x28: {  	s2 =	sld [smem:$0x3FB0]  }
0x29: {  	s4 =	sld [smem:$0x3FB2]  }
0x2a: {  	p0 =	seq.s32 s5, $0x0;
	s5 =	sld [smem:$0x3FB3]  }
0x2b: {  	s6 =	sld [smem:$0x3FB4]  }
0x2c: {  	s7 =	sld [smem:$0x3FB5]  }
0x2d: {  	s3 =	simm.s32 $0x108;
	s8 =	sld [smem:$0x3FB6]  }
0x2e: {  	s3 =	simm.s32 @!p0 $0x1082;
	s9 =	sld [smem:$0x3FB7]  }
0x2f: {  	lr =	sadd.s32 s0, s3;
	s0 =	sld [smem:$0x3FAE]  }
0x30: {  	s3 =	sld [smem:$0x3FB1]  }
0x31: {  	[smem:$0x3FBA] =	sst s10  }
0x32: {  	s10 =	sld [smem:$0x3FB8];
	_ =	sdelay $0x3  }
0x33: {  	p0 =	seq.s32 s10, $0x1;
	s10 =	sld [smem:$0x3FBA];
	_ =	sdelay $0x3  }
0x34: {  	[smem:$0x3FBA] =	sst s10  }
0x35: {  	s10 =	sld [smem:$0x3FB9];
	_ =	sdelay $0x3  }
0x36: {  	p1 =	seq.s32 s10, $0x1;
	s10 =	sld [smem:$0x3FBA];
	_ =	sdelay $0x3  }
0x37: {  	[smem:$0x3FBA] =	sst s10  }
0x38: {  	s10 =	sld [smem:$0x3FBB]  }
0x39: {  	_ = 	snop;
	(pc) =	sbr.ind lr, $3  }
0x3a: {  	_ = 	snop  }
0x3b: {  	_ = 	snop  }
0x3c: {  	p2 =	seq.s32 s10, $0x1;
	s10 =	sld [smem:$0x3FBA]  }
0x3d: {  	_ =	shalt  }
0x3e: {  	_ =	shalt  }
0x3f: {  	_ =	shalt  }
0x40: {  	_ =	shalt  }
0x41: {  	_ =	shalt  }
0x42: {  	_ =	shalt  }
0x43: {  	_ =	shalt  }
0x44: {  	_ =	shalt  }
0x45: {  	_ =	shalt  }
0x46: {  	_ =	shalt  }
0x47: {  	_ =	shalt  }
0x48: {  	_ =	shalt  }
0x49: {  	_ =	shalt  }
0x4a: {  	_ =	shalt  }
0x4b: {  	_ =	shalt  }
0x4c: {  	_ =	shalt  }
0x4d: {  	_ =	shalt  }
0x4e: {  	_ =	shalt  }
0x4f: {  	_ =	shalt  }
0x50: {  	_ =	shalt  }
0x51: {  	_ =	shalt  }
0x52: {  	_ =	shalt  }
0x53: {  	_ =	shalt  }
0x54: {  	_ =	shalt  }
0x55: {  	_ =	shalt  }
0x56: {  	_ =	shalt  }
0x57: {  	_ =	shalt  }
0x58: {  	_ =	shalt  }
0x59: {  	_ =	shalt  }
0x5a: {  	_ =	shalt  }
0x5b: {  	_ =	shalt  }
0x5c: {  	_ =	shalt  }
0x5d: {  	_ =	shalt  }
0x5e: {  	_ =	shalt  }
0x5f: {  	_ =	shalt  }
0x60: {  	_ =	shalt  }
0x61: {  	_ =	shalt  }
0x62: {  	_ =	shalt  }
0x63: {  	_ =	shalt  }
0x64: {  	_ =	shalt  }
0x65: {  	_ =	shalt  }
0x66: {  	_ =	shalt  }
0x67: {  	_ =	shalt  }
0x68: {  	_ =	shalt  }
0x69: {  	_ =	shalt  }
0x6a: {  	_ =	shalt  }
0x6b: {  	_ =	shalt  }
0x6c: {  	_ =	shalt  }
0x6d: {  	_ =	shalt  }
0x6e: {  	_ =	shalt  }
0x6f: {  	_ =	shalt  }
0x70: {  	_ =	shalt  }
0x71: {  	_ =	shalt  }
0x72: {  	_ =	shalt  }
0x73: {  	_ =	shalt  }
0x74: {  	_ =	shalt  }
0x75: {  	_ =	shalt  }
0x76: {  	_ =	shalt  }
0x77: {  	_ =	shalt  }
0x78: {  	_ =	shalt  }
0x79: {  	_ =	shalt  }
0x7a: {  	_ =	shalt  }
0x7b: {  	_ =	shalt  }
0x7c: {  	_ =	shalt  }
0x7d: {  	_ =	shalt  }
0x7e: {  	_ =	shalt  }
0x7f: {  	_ =	shalt  }
0x80: {  	_ =	shalt  }
0x81: {  	_ =	shalt  }
0x82: {  	_ =	shalt  }
0x83: {  	_ =	shalt  }
0x84: {  	_ =	shalt  }
0x85: {  	_ =	shalt  }
0x86: {  	_ =	shalt  }
0x87: {  	_ =	shalt  }
.Lfunc_end0:
.L_simem_size_0:
called_computation.2_lowered:
.L_overlay_start_0:
0x88: {  	s2 =	sld [smem:$0x3FD9]  }
0x89: {  	s3 =	sld [smem:$0x3FFE];
	_ =	sdelay $0x1  }
0x8a: {  	s1 =	srdreg.scid  }
0x8b: {  	s0 =	sand.u32 $0x1, s1  }
0x8c: {  	s17 =	sshll.u32 s0, $0xA;
	s2 =	sadd.s32 s3, s2  }
0x8d: {  	s2 =	sadd.s32 s2, s17  }
0x8e: {  	[smem:$0x3FC6] =	sst s2  }
0x8f: {  	_ = 	snop  }
0x90: {  	s2 =	sld [smem:$0x3FD0];
	(tm) =	ssettm $0x1  }
0x91: {  	s18 =	sld [smem:$0x3FFB];
	_ =	sdelay $0x3  }
0x92: {  	_ =	strace s18  }
0x93: {  	s3 =	sld [smem:$0x3FFC];
	_ =	sdelay $0x3  }
0x94: {  	_ =	strace s3  }
0x95: {  	s3 =	sld [smem:$0x3FFD];
	_ =	sdelay $0x3  }
0x96: {  	_ =	strace s3  }
0x97: {  	_ =	strace $0x8FFFFFFF  }
0x98: {  	s19 =	sld [smem:$0x3FDB];
	_ =	sdelay $0x1  }
0x99: {  	s4 =	simm.s32 $_scs_section_size  }
0x9a: {  	s5 =	simm.s32 $_size__tile_overlayer_lowered;
	s6 =	simm.s32 $_tile_overlayer_lowered  }
0x9b: {  	s22 =	simm.s32 $0x1BFF;
	s21 =	sshll.u32 s6, $0x1;
	s3 =	sadd.s32 s4, s19  }
0x9c: {  	s7 =	simm.s32 $0x0;
	s20 =	sshll.u32 s5, $0x1;
	s5 =	sadd.s32 s21, s3  }
0x9d: {  	[timem:s7], [sflag:s22] =	dma.local [hbm:s5], s20  }
0x9e: {  	_ =	swait.ge [sflag:s22], s20  }
0x9f: {  	s4 =	ssub.s32 $0x0, s20;
	[sflag:s22] =	ssyncset.done $0x0  }
0xa0: {  	[sflag:s22] =	ssyncadd.s32 s4;
	_ =	sdelay $0x1  }
0xa1: {  	s23 =	simm.s32 $0x1B8B  }
0xa2: {  	_ =	swait.ge [sflag:s23], $0x1  }
0xa3: {  	[sflag:s23] =	ssyncset.done $0x0  }
0xa4: {  	s25 =	simm.s32 $0x1B8E;
	s24 =	sld [smem:$0x3FFE];
	[sflag:s23] =	ssyncadd.s32 $0xFFFFFFFF  }
0xa5: {  	s26 =	simm.s32 $execute0_lowered;
	[smem:$0x3FD2] =	sst s25  }
0xa6: {  	s5 =	sshll.u32 s26, $0x1;
	_ =	strace $0x8000004C;
	[dreg:$0x1] =	wrdreg $0xFFFFFFFF  }
0xa7: {  	s28 =	simm.s32 $_size_execute0_lowered;
	s3 =	sadd.s32 s3, s5;
	[dreg:$0x0] =	wrdreg $0x0  }
0xa8: {  	s5 =	sshll.u32 s28, $0x1;
	[dreg:$0x2] =	wrdreg s3  }
0xa9: {  	[dreg:$0x3] =	wrdreg s5  }
0xaa: {  	[dreg:$0x4] =	wrdreg $0xC0  }
0xab: {  	_ =	task [dreg:s7], $0x5FFFF  }
0xac: {  	[dreg:$0x1] =	wrdreg $0xFFFFFFFF  }
0xad: {  	[dreg:$0x0] =	wrdreg $0x60  }
0xae: {  	[dreg:$0x2] =	wrdreg s24  }
0xaf: {  	[dreg:$0x3] =	wrdreg s2  }
0xb0: {  	[dreg:$0x4] =	wrdreg $0x90000  }
0xb1: {  	[dreg:$0x5] =	wrdreg $0x9  }
0xb2: {  	_ =	task.clear_ibuf [dreg:s7], $0x6FFFF;
	_ =	strace $0x9000004C  }
0xb3: {  	s29 =	simm.s32 $0x9;
	_ =	strace $0x8000004E  }
0xb4: {  	_ =	swait.ge [sflag:s29], $0x1  }
0xb5: {  	[sflag:s29] =	ssyncadd.s32 $0xFFFFFFFF  }
0xb6: {  	_ =	strace $0x9000004E  }
0xb7: {  	_ =	sfence  }
0xb8: {  	s30 =	sld [smem:$0x0];
	_ =	sdelay $0x2  }
0xb9: {  	s31 =	sshll.u32 s1, $0xD;
	s1 =	sshrl.u32 s1, $0x2  }
0xba: {  	s3 =	sand.u32 $0x4000, s31;
	s1 =	sadd.s32 s1, s30  }
0xbb: {  	s0 =	sor.u32 s3, s0;
	s1 =	sshll.u32 s1, $0x11  }
0xbc: {  	s0 =	sor.u32 s1, s0  }
0xbd: {  	s0 =	sadd.s32 $0x8F2B, s0  }
0xbe: {  	[sflag:s0] =	ssyncadd.remote.s32 $0x1  }
0xbf: {  	_ =	sfence.sel $0xFFFF  }
0xc0: {  	[dreg:$0x0] =	wrdreg $0xFFFFFFFF;
	(pc) =	sbr.abs _section_cstart, $3  }
0xc1: {  	[dreg:$0x1] =	wrdreg $0xFFFFFFFF  }
0xc2: {  	_ =	task.clear_ibuf [dreg:s7], $0x2FFFF;
	_ =	strace $0x9FFFFFFF  }
0xc3: {  	(tm) =	ssettm $0x7FFFFFFF  }
tec
execute0_lowered:
.L_overlay_start_1:
0x0: {  	(tag) =	ssettag $0x1  }
0x1: {  	s5 =	rddreg [dreg:$0x0]  }
0x2: {  	s0 =	srdreg.scid;
	s2 =	rddreg [dreg:$0x1]  }
0x3: {  	s3 =	rddreg [dreg:$0x2];
	s1 =	stileid.u32  }
0x4: {  	s4 =	simm.s32 $0x0;
	s16 =	simm.s32 $0x2800;
	s17 =	simm.s32 $0x5000  }
0x5: {  	s18 =	simm.s32 $0x80;
	s6 =	sand.u32 $0x1, s0;
	s0 =	rddreg [dreg:$0x3]  }
0x6: {  	s22 =	simm.s32 $0x0;
	[smem:$0x7FF] =	sst s4;
	s8 =	smul.u32 $0x50000, s1  }
0x7: {  	s12 =	sadd.s32 $0x15200, s5;
	s11 =	smul.u32 $0x14000, s1;
	s19 =	sadd.s32 $0x12C000, s3  }
0x8: {  	p0 =	seq.s32 s1, $0xF;
	s7 =	sshll.u32 s6, $0x4;
	_ =	strace $0x8000004D  }
0x9: {  	s31 =	ssub.s32 $0x2, s6;
	s10 =	smul.u32 $0x138800, s6;
	s19 =	sshrl.u32 @p0 s19, $0x3  }
0xa: {  	s20 =	sshll.u32 @!p0 s1, $0x6;
	s7 =	sor.u32 s1, s7;
	s9 =	sshrl.u32 s31, $0x1  }
0xb: {  	s8 =	sshrl.u32 s8, $0x2;
	s20 =	sor.u32 @!p0 $0x1C01, s20;
	s7 =	smul.u32 $0x500, s7  }
0xc: {  	s14 =	ssub.s32 s31, s9;
	s11 =	sadd.s32 s11, s10;
	s13 =	sshrl.u32 s10, $0x3  }
0xd: {  	s15 =	sshrl.u32 s11, $0x3;
	s13 =	sadd.s32 s12, s13;
	s14 =	smax.u32 s14, $0x1  }
0xe: {  	s7 =	sadd.s32 s7, s5;
	s5 =	sadd.s32 s8, s3;
	s12 =	sadd.s32 s12, s15  }
0xf: {  	s13 =	sadd.s32 $0x25800, s13;
	s15 =	simm.s32 $0x1;
	s6 =	sadd.s32 $0xB200, s7  }
0x10: {  	s7 =	sadd.s32 $0x1200, s7;
	s8 =	sadd.s32 $0x4000, s5;
	s9 =	sadd.s32 $0x8000, s5  }
0x11: {  	v0 =	vimm.f32 $0.0e+00;
	s10 =	sadd.s32 $0xC000, s5;
	s11 =	sadd.s32 $0x10000, s5;
	s21 =	sshrl.u32 @!p0 s5, $0x3  }
.LBB2_1:
0x12: {  	[tilespmem:s4], [sflag:$0x1] =	stream.linear.gather [hbm4b:s6+s4], $0x2780, $0x38;
	[tilespmem:$0x1D000] =	vst v63  }
0x13: {  	_ =	swait.ge [sflag:s15], $0x2780  }
0x14: {  	[sflag:s15] =	ssyncset.done $0x0  }
0x15: {  	[sflag:s15] =	ssyncadd.s32 $0xFFFFD880  }
0x16: {  	[tilespmem:s16], [sflag:$0x1] =	stream.linear.gather [hbm4b:s7+s4], $0x2780, $0x38;
	[tilespmem:$0x1D000] =	vst v63  }
0x17: {  	s23 =	sand.u32 $0xFE00, s4;
	s24 =	sand.u32 $0x70, s4;
	_ =	swait.ge [sflag:s15], $0x2780  }
0x18: {  	s25 =	sshrl.u32 s23, $0x2;
	s23 =	simm.s32 $0x40;
	[sflag:s15] =	ssyncset.done $0x0  }
0x19: {  	s25 =	sor.u32 s24, s25;
	s24 =	simm.s32 $0x0;
	[sflag:s15] =	ssyncadd.s32 $0xFFFFD880  }
.LBB2_2:
0x1a: {  	p1 =	sne.s32 s23, $0xFFC0  }
0x1b: {  	[tilespmem:s25+$0x5000] =	vst v0;
	s24 =	sadd.s32 $0x10, s24;
	s25 =	smov.u32 s23;
	s23 =	sadd.s32 $0x40, s23  }
.Ltmp0:
0x1c: {  	(pc) =	sbr.rel @p1 .LBB2_2-.Ltmp0, $4  }
0x1d: {  	_ = 	snop  }
0x1e: {  	s25 =	sand.u32 $0xFE00, s25  }
0x1f: {  	s26 =	sand.u32 $0x70, s24;
	s25 =	sshrl.u32 s25, $0x2  }
0x20: {  	s25 =	sor.u32 s26, s25  }
0x21: {  	[tilespmem:s25+$0x5000] =	vst v0  }
0x22: {  	[spmem:s5] =	stream.linear.scatter [tilespmem:s17], [sflag:$0x1], $0x4000, $0x38;
	[tilespmem:$0x1D000] =	vst v63  }
0x23: {  	_ =	swait.ge [sflag:s15], $0x4000  }
0x24: {  	[sflag:s15] =	ssyncset.done $0x0  }
0x25: {  	[sflag:s15] =	ssyncadd.s32 $0xFFFFC000  }
0x26: {  	[spmem:s8] =	stream.linear.scatter [tilespmem:s17], [sflag:$0x1], $0x4000, $0x38;
	[tilespmem:$0x1D000] =	vst v63  }
0x27: {  	_ =	swait.ge [sflag:s15], $0x4000  }
0x28: {  	[sflag:s15] =	ssyncset.done $0x0  }
0x29: {  	[sflag:s15] =	ssyncadd.s32 $0xFFFFC000  }
0x2a: {  	[spmem:s9] =	stream.linear.scatter [tilespmem:s17], [sflag:$0x1], $0x4000, $0x38;
	[tilespmem:$0x1D000] =	vst v63  }
0x2b: {  	_ =	swait.ge [sflag:s15], $0x4000  }
0x2c: {  	[sflag:s15] =	ssyncset.done $0x0  }
0x2d: {  	[sflag:s15] =	ssyncadd.s32 $0xFFFFC000  }
0x2e: {  	[spmem:s10] =	stream.linear.scatter [tilespmem:s17], [sflag:$0x1], $0x4000, $0x38;
	[tilespmem:$0x1D000] =	vst v63  }
0x2f: {  	_ =	swait.ge [sflag:s15], $0x4000  }
0x30: {  	[sflag:s15] =	ssyncset.done $0x0  }
0x31: {  	[sflag:s15] =	ssyncadd.s32 $0xFFFFC000  }
0x32: {  	[spmem:s11] =	stream.linear.scatter [tilespmem:s17], [sflag:$0x1], $0x4000, $0x38;
	[tilespmem:$0x1D000] =	vst v63  }
0x33: {  	_ =	swait.ge [sflag:s15], $0x4000  }
0x34: {  	[sflag:s15] =	ssyncset.done $0x0  }
0x35: {  	[sflag:s15] =	ssyncadd.s32 $0xFFFFC000  }
0x36: {  	s23 =	simm.s32 $0x0;
	[bflag:$0x0] =	sbarrier.arrive $0xFFFF  }
0x37: {  	[tilespmem:s17], [sflag:$0x1] =	stream.indirect.gather [hbm4b:s2+s18], $0x80, s23, s18, $0xb8;
	[tilespmem:$0x1D000] =	vst v63  }
0x38: {  	_ =	swait.ge [sflag:s15], $0x4000  }
0x39: {  	[sflag:s15] =	ssyncset.done $0x0  }
0x3a: {  	s31 =	simm.s32 $0x2800;
	[sflag:s15] =	ssyncadd.s32 $0xFFFFC000  }
0x3b: {  	[spmem:s3] =	stream.indirect.scatter.add.f32 [tilespmem:s17], [sflag:$0x1], $0x80, s31, s18, $0xb8;
	[tilespmem:$0x1D000] =	vst v63  }
0x3c: {  	_ =	swait.ge [sflag:s15], $0x4000  }
0x3d: {  	s24 =	simm.s32 $0x400;
	s23 =	simm.s32 $0x200;
	[sflag:s15] =	ssyncset.done $0x0  }
.LBB2_4:
0x3e: {  	s25 =	sshra.s32 s23, $0x2  }
0x3f: {  	[sflag:s15] =	ssyncadd.s32 $0xFFFFC000;
	s23 =	smov.u32 s24;
	s26 =	sadd.s32 $0x200, s24  }
0x40: {  	[tilespmem:s17], [sflag:$0x1] =	stream.indirect.gather [hbm4b:s2+s18], $0x80, s25, s18, $0xb8;
	[tilespmem:$0x1D000] =	vst v63  }
0x41: {  	p1 =	sne.s32 s24, $0x9C00;
	_ =	swait.ge [sflag:s15], $0x4000  }
.Ltmp1:
0x42: {  	[sflag:s15] =	ssyncset.done $0x0;
	(pc) =	sbr.rel @p1 .LBB2_4-.Ltmp1, $4  }
0x43: {  	s24 =	sadd.s32 $0x2800, s25;
	[sflag:s15] =	ssyncadd.s32 $0xFFFFC000  }
0x44: {  	[spmem:s3] =	stream.indirect.scatter.add.f32 [tilespmem:s17], [sflag:$0x1], $0x80, s24, s18, $0xb8;
	[tilespmem:$0x1D000] =	vst v63  }
0x45: {  	_ =	swait.ge [sflag:s15], $0x4000  }
0x46: {  	s24 =	smov.u32 s26;
	[sflag:s15] =	ssyncset.done $0x0  }
0x47: {  	s23 =	sshra.s32 s23, $0x2;
	[sflag:s15] =	ssyncadd.s32 $0xFFFFC000  }
0x48: {  	[tilespmem:s17], [sflag:$0x1] =	stream.indirect.gather [hbm4b:s2+s18], $0x80, s23, s18, $0xb8;
	[tilespmem:$0x1D000] =	vst v63  }
0x49: {  	_ =	swait.ge [sflag:s15], $0x4000  }
0x4a: {  	[sflag:s15] =	ssyncset.done $0x0  }
0x4b: {  	s23 =	sadd.s32 $0x2800, s23;
	[sflag:s15] =	ssyncadd.s32 $0xFFFFC000  }
0x4c: {  	[spmem:s3] =	stream.indirect.scatter.add.f32 [tilespmem:s17], [sflag:$0x1], $0x80, s23, s18, $0xb8;
	[tilespmem:$0x1D000] =	vst v63  }
0x4d: {  	_ =	swait.ge [sflag:s15], $0x4000  }
0x4e: {  	[sflag:s15] =	ssyncset.done $0x0  }
0x4f: {  	[sflag:s15] =	ssyncadd.s32 $0xFFFFC000  }
0x50: {  	s23 =	simm.s32 @p0 $0x1FC1;
	[bflag:$0x0] =	sbarrier.arrive $0xFFFF  }
0x51: {  	[hbm:s13], [sflag:s23] =	dma.local @p0 [spmem:s19], $0x1900  }
0x52: {  	s23 =	simm.s32 @p0 $0x1  }
0x53: {  	s22 =	sadd.s32 $0x1, s22;
	_ =	swait.ge @p0 [sflag:s23], $0x1900  }
0x54: {  	p1 =	sne.s32 s22, s14;
	[sflag:s23] =	ssyncset.done @p0 $0x0  }
.Ltmp2:
0x55: {  	[sflag:s23] =	ssyncadd.s32 @p0 $0xFFFFE700;
	s23 =	simm.s32 @!p0 $0x1;
	(pc) =	sbr.rel @p1 .LBB2_1-.Ltmp2, $4  }
0x56: {  	[hbm:s12], [sflag:s20] =	dma.local @!p0 [spmem:s21], $0x2800  }
0x57: {  	_ =	swait.ge @!p0 [sflag:s23], $0x2800  }
0x58: {  	[sflag:s23] =	ssyncset.done @!p0 $0x0  }
0x59: {  	[sflag:s23] =	ssyncadd.s32 @!p0 $0xFFFFD800  }
0x5a: {  	_ =	sfence.sel $0x180000  }
0x5b: {  	[bflag:$0x0] =	sbarrier.arrive $0xFFFF  }
0x5c: {  	p0 =	sne.s32 s1, $0x0;
	_ =	strace $0x9000004D  }
0x5d: {  	s0 =	sadd.s32 @!p0 $0x100000, s0;
	[bflag:$0x2] =	sbarrier.arrive $0xFFFF  }
0x5e: {  	[sflag:s0] =	ssyncadd.tile.s32 @!p0 $0x1;
	_ =	shalt  }
.Lfunc_end2:
_tile_overlayer_lowered:
.L_overlay_start_2:
0x5f: {  	(tag) =	ssettag $0x2  }
0x60: {  	s0 =	rddreg [dreg:$0x0];
	s2 =	stileid.u32  }
0x61: {  	s1 =	rddreg [dreg:$0x1];
	p0 =	sne.s32 s2, $0x0  }
0x62: {  	s3 =	rddreg [dreg:$0x2];
	[bflag:$0x3] =	sbarrier.arrive $0xFFFF;
	s2 =	simm.s32 @!p0 $0x1C01  }
0x63: {  	[timem:s3], [sflag:s2] =	dma.local @!p0 [hbm:s0], s1  }
0x64: {  	s0 =	simm.s32 @!p0 $0x1  }
0x65: {  	_ =	swait.ge @!p0 [sflag:s0], s1  }
0x66: {  	s1 =	ssub.s32 @!p0 $0x0, s1;
	[sflag:s0] =	ssyncset.done @!p0 $0x0  }
0x67: {  	[sflag:s0] =	ssyncadd.s32 @!p0 s1  }
0x68: {  	[bflag:$0x3] =	sbarrier.arrive $0xFFFF  }
0x69: {  	_ =	shalt  }

// kernel: kernel.19.cloned.1.call-start
scs
__scs_entry_jumppad:
0x0: {  	(pc) =	sbr.rel $0x88, $3  }
0x1: {  	(tag) =	ssettag $0x0;
	lr =	simm.s32 $0x1  }
0x2: {  	[smem:$0x3F9F] =	sst lr;
	_ =	strace $0xD0000000  }
0x3: {  	_ = 	snop  }
0x4: {  	_ = 	snop  }
0x5: {  	_ = 	snop  }
0x6: {  	_ = 	snop  }
0x7: {  	_ = 	snop  }
__scs_overlays_trampoline_lowered:
0x8: {  	[smem:$0x3FAE] =	sst s0  }
0x9: {  	[smem:$0x3FAF] =	sst s1  }
0xa: {  	[smem:$0x3FB0] =	sst s2  }
0xb: {  	[smem:$0x3FB1] =	sst s3  }
0xc: {  	[smem:$0x3FB2] =	sst s4  }
0xd: {  	[smem:$0x3FB3] =	sst s5  }
0xe: {  	[smem:$0x3FB4] =	sst s6  }
0xf: {  	[smem:$0x3FB5] =	sst s7  }
0x10: {  	[smem:$0x3FB6] =	sst s8  }
0x11: {  	[smem:$0x3FB7] =	sst s9;
	s0 =	simm.s32 @!p0 $0x0  }
0x12: {  	s1 =	sld [smem:$0x3F9D];
	s0 =	simm.s32 @p0 $0x1  }
0x13: {  	[smem:$0x3FB8] =	sst s0;
	s0 =	simm.s32 @!p1 $0x0  }
0x14: {  	s2 =	sld [smem:$0x3F9C];
	s0 =	simm.s32 @p1 $0x1  }
0x15: {  	[smem:$0x3FB9] =	sst s0;
	s0 =	simm.s32 @!p2 $0x0  }
0x16: {  	s3 =	sld [smem:$0x3FDB];
	s0 =	simm.s32 @p2 $0x1  }
0x17: {  	s4 =	simm.s32 $0x1BF5;
	[smem:$0x3FBB] =	sst s0  }
0x18: {  	s0 =	sld [smem:$0x3F9E];
	_ =	swait.ge [sflag:s4], $0x0  }
0x19: {  	s7 =	sld [smem:$0x3F9F]  }
0x1a: {  	s8 =	sadd.s32 $0xFFFFE003, lr  }
0x1b: {  	s9 =	sadd.s32 $0xFFFFFEF7, lr;
	s5 =	simm.s32 $0xFFFFFFFF;
	p2 =	slt.u32 s8, $0xFFFFF086  }
0x1c: {  	p1 =	slt.u32 s9, $0xF7A;
	s5 =	simm.s32 @!p2 $0x0  }
0x1d: {  	s5 =	simm.s32 @p1 $0x1;
	p0 =	seq.s32 s7, s2  }
0x1e: {  	s7 =	smul.u32 @!p0 $0xF7A, s2;
	p2 =	seq.s32 @!p0 s5, $0x0  }
0x1f: {  	s9 =	smul.u32 $0xF7A, s1;
	s8 =	simm.s32 @!p0 $0x1BF5;
	p2 =	por !p2, p0  }
0x20: {  	[sflag:s8] =	ssyncset.s32 @!p0 $0xFFFFF086;
	s6 =	sadd.s32 @!p0 s3, s7;
	s7 =	simm.s32 @!p0 $0x108  }
0x21: {  	s3 =	sadd.s32 s3, s9;
	s6 =	sadd.s32 @!p0 $0x88, s6;
	s7 =	simm.s32 @p2 $0x1082  }
0x22: {  	[simem:s7], [sflag:s8] =	dma.local @!p0 [hbm:s6], $0xF7A  }
0x23: {  	s9 =	sor.u32 $0xD0000000, s2;
	s6 =	simm.s32 $0x108;
	_ =	swait.ge @!p0 [sflag:s8], $0x0  }
0x24: {  	s3 =	sadd.s32 $0x88, s3;
	s6 =	simm.s32 @!p1 $0x1082;
	[sflag:s4] =	ssyncset.s32 $0xFFFFF086  }
0x25: {  	[simem:s6], [sflag:s4] =	dma.local [hbm:s3], $0xF7A  }
0x26: {  	[smem:$0x3F9F] =	sst s1;
	(tag) =	ssettag s2;
	_ =	strace s9  }
0x27: {  	s1 =	sld [smem:$0x3FAF]  }
0x28: {  	s2 =	sld [smem:$0x3FB0]  }
0x29: {  	s4 =	sld [smem:$0x3FB2]  }
0x2a: {  	p0 =	seq.s32 s5, $0x0;
	s5 =	sld [smem:$0x3FB3]  }
0x2b: {  	s6 =	sld [smem:$0x3FB4]  }
0x2c: {  	s7 =	sld [smem:$0x3FB5]  }
0x2d: {  	s3 =	simm.s32 $0x108;
	s8 =	sld [smem:$0x3FB6]  }
0x2e: {  	s3 =	simm.s32 @!p0 $0x1082;
	s9 =	sld [smem:$0x3FB7]  }
0x2f: {  	lr =	sadd.s32 s0, s3;
	s0 =	sld [smem:$0x3FAE]  }
0x30: {  	s3 =	sld [smem:$0x3FB1]  }
0x31: {  	[smem:$0x3FBA] =	sst s10  }
0x32: {  	s10 =	sld [smem:$0x3FB8];
	_ =	sdelay $0x3  }
0x33: {  	p0 =	seq.s32 s10, $0x1;
	s10 =	sld [smem:$0x3FBA];
	_ =	sdelay $0x3  }
0x34: {  	[smem:$0x3FBA] =	sst s10  }
0x35: {  	s10 =	sld [smem:$0x3FB9];
	_ =	sdelay $0x3  }
0x36: {  	p1 =	seq.s32 s10, $0x1;
	s10 =	sld [smem:$0x3FBA];
	_ =	sdelay $0x3  }
0x37: {  	[smem:$0x3FBA] =	sst s10  }
0x38: {  	s10 =	sld [smem:$0x3FBB]  }
0x39: {  	_ = 	snop;
	(pc) =	sbr.ind lr, $3  }
0x3a: {  	_ = 	snop  }
0x3b: {  	_ = 	snop  }
0x3c: {  	p2 =	seq.s32 s10, $0x1;
	s10 =	sld [smem:$0x3FBA]  }
0x3d: {  	_ =	shalt  }
0x3e: {  	_ =	shalt  }
0x3f: {  	_ =	shalt  }
0x40: {  	_ =	shalt  }
0x41: {  	_ =	shalt  }
0x42: {  	_ =	shalt  }
0x43: {  	_ =	shalt  }
0x44: {  	_ =	shalt  }
0x45: {  	_ =	shalt  }
0x46: {  	_ =	shalt  }
0x47: {  	_ =	shalt  }
0x48: {  	_ =	shalt  }
0x49: {  	_ =	shalt  }
0x4a: {  	_ =	shalt  }
0x4b: {  	_ =	shalt  }
0x4c: {  	_ =	shalt  }
0x4d: {  	_ =	shalt  }
0x4e: {  	_ =	shalt  }
0x4f: {  	_ =	shalt  }
0x50: {  	_ =	shalt  }
0x51: {  	_ =	shalt  }
0x52: {  	_ =	shalt  }
0x53: {  	_ =	shalt  }
0x54: {  	_ =	shalt  }
0x55: {  	_ =	shalt  }
0x56: {  	_ =	shalt  }
0x57: {  	_ =	shalt  }
0x58: {  	_ =	shalt  }
0x59: {  	_ =	shalt  }
0x5a: {  	_ =	shalt  }
0x5b: {  	_ =	shalt  }
0x5c: {  	_ =	shalt  }
0x5d: {  	_ =	shalt  }
0x5e: {  	_ =	shalt  }
0x5f: {  	_ =	shalt  }
0x60: {  	_ =	shalt  }
0x61: {  	_ =	shalt  }
0x62: {  	_ =	shalt  }
0x63: {  	_ =	shalt  }
0x64: {  	_ =	shalt  }
0x65: {  	_ =	shalt  }
0x66: {  	_ =	shalt  }
0x67: {  	_ =	shalt  }
0x68: {  	_ =	shalt  }
0x69: {  	_ =	shalt  }
0x6a: {  	_ =	shalt  }
0x6b: {  	_ =	shalt  }
0x6c: {  	_ =	shalt  }
0x6d: {  	_ =	shalt  }
0x6e: {  	_ =	shalt  }
0x6f: {  	_ =	shalt  }
0x70: {  	_ =	shalt  }
0x71: {  	_ =	shalt  }
0x72: {  	_ =	shalt  }
0x73: {  	_ =	shalt  }
0x74: {  	_ =	shalt  }
0x75: {  	_ =	shalt  }
0x76: {  	_ =	shalt  }
0x77: {  	_ =	shalt  }
0x78: {  	_ =	shalt  }
0x79: {  	_ =	shalt  }
0x7a: {  	_ =	shalt  }
0x7b: {  	_ =	shalt  }
0x7c: {  	_ =	shalt  }
0x7d: {  	_ =	shalt  }
0x7e: {  	_ =	shalt  }
0x7f: {  	_ =	shalt  }
0x80: {  	_ =	shalt  }
0x81: {  	_ =	shalt  }
0x82: {  	_ =	shalt  }
0x83: {  	_ =	shalt  }
0x84: {  	_ =	shalt  }
0x85: {  	_ =	shalt  }
0x86: {  	_ =	shalt  }
0x87: {  	_ =	shalt  }
.Lfunc_end0:
.L_simem_size_0:
called_computation.3_lowered:
.L_overlay_start_0:
0x88: {  	s2 =	sld [smem:$0x3FD9]  }
0x89: {  	s3 =	sld [smem:$0x3FFE];
	_ =	sdelay $0x1  }
0x8a: {  	s1 =	srdreg.scid  }
0x8b: {  	s0 =	sand.u32 $0x1, s1  }
0x8c: {  	s17 =	sshll.u32 s0, $0xA;
	s2 =	sadd.s32 s3, s2  }
0x8d: {  	s2 =	sadd.s32 s2, s17  }
0x8e: {  	[smem:$0x3FC6] =	sst s2  }
0x8f: {  	_ = 	snop  }
0x90: {  	s2 =	sld [smem:$0x3FD0];
	(tm) =	ssettm $0x1  }
0x91: {  	s18 =	sld [smem:$0x3FFB];
	_ =	sdelay $0x3  }
0x92: {  	_ =	strace s18  }
0x93: {  	s3 =	sld [smem:$0x3FFC];
	_ =	sdelay $0x3  }
0x94: {  	_ =	strace s3  }
0x95: {  	s3 =	sld [smem:$0x3FFD];
	_ =	sdelay $0x3  }
0x96: {  	_ =	strace s3  }
0x97: {  	_ =	strace $0x8FFFFFFF  }
0x98: {  	s19 =	sld [smem:$0x3FDB];
	_ =	sdelay $0x1  }
0x99: {  	s4 =	simm.s32 $_scs_section_size  }
0x9a: {  	s5 =	simm.s32 $_size__tile_overlayer_lowered;
	s6 =	simm.s32 $_tile_overlayer_lowered  }
0x9b: {  	s22 =	simm.s32 $0x1BFF;
	s21 =	sshll.u32 s6, $0x1;
	s3 =	sadd.s32 s4, s19  }
0x9c: {  	s7 =	simm.s32 $0x0;
	s20 =	sshll.u32 s5, $0x1;
	s5 =	sadd.s32 s21, s3  }
0x9d: {  	[timem:s7], [sflag:s22] =	dma.local [hbm:s5], s20  }
0x9e: {  	_ =	swait.ge [sflag:s22], s20  }
0x9f: {  	s4 =	ssub.s32 $0x0, s20;
	[sflag:s22] =	ssyncset.done $0x0  }
0xa0: {  	[sflag:s22] =	ssyncadd.s32 s4;
	_ =	sdelay $0x1  }
0xa1: {  	s23 =	simm.s32 $0x1B8B  }
0xa2: {  	_ =	swait.ge [sflag:s23], $0x1  }
0xa3: {  	[sflag:s23] =	ssyncset.done $0x0  }
0xa4: {  	s25 =	simm.s32 $0x1B8E;
	s24 =	sld [smem:$0x3FFE];
	[sflag:s23] =	ssyncadd.s32 $0xFFFFFFFF  }
0xa5: {  	s26 =	simm.s32 $execute0_lowered;
	[smem:$0x3FD2] =	sst s25  }
0xa6: {  	s5 =	sshll.u32 s26, $0x1;
	_ =	strace $0x8000004F;
	[dreg:$0x1] =	wrdreg $0xFFFFFFFF  }
0xa7: {  	s28 =	simm.s32 $_size_execute0_lowered;
	s3 =	sadd.s32 s3, s5;
	[dreg:$0x0] =	wrdreg $0x0  }
0xa8: {  	s5 =	sshll.u32 s28, $0x1;
	[dreg:$0x2] =	wrdreg s3  }
0xa9: {  	[dreg:$0x3] =	wrdreg s5  }
0xaa: {  	[dreg:$0x4] =	wrdreg $0xC0  }
0xab: {  	_ =	task [dreg:s7], $0x5FFFF  }
0xac: {  	[dreg:$0x1] =	wrdreg $0xFFFFFFFF  }
0xad: {  	[dreg:$0x0] =	wrdreg $0x60  }
0xae: {  	[dreg:$0x2] =	wrdreg s24  }
0xaf: {  	[dreg:$0x3] =	wrdreg s2  }
0xb0: {  	[dreg:$0x4] =	wrdreg $0x90000  }
0xb1: {  	[dreg:$0x5] =	wrdreg $0x9  }
0xb2: {  	_ =	task.clear_ibuf [dreg:s7], $0x6FFFF;
	_ =	strace $0x9000004F  }
0xb3: {  	s29 =	simm.s32 $0x9;
	_ =	strace $0x80000051  }
0xb4: {  	_ =	swait.ge [sflag:s29], $0x1  }
0xb5: {  	[sflag:s29] =	ssyncadd.s32 $0xFFFFFFFF  }
0xb6: {  	_ =	strace $0x90000051  }
0xb7: {  	_ =	sfence  }
0xb8: {  	s30 =	sld [smem:$0x0];
	_ =	sdelay $0x2  }
0xb9: {  	s31 =	sshll.u32 s1, $0xD;
	s1 =	sshrl.u32 s1, $0x2  }
0xba: {  	s3 =	sand.u32 $0x4000, s31;
	s1 =	sadd.s32 s1, s30  }
0xbb: {  	s0 =	sor.u32 s3, s0;
	s1 =	sshll.u32 s1, $0x11  }
0xbc: {  	s0 =	sor.u32 s1, s0  }
0xbd: {  	s0 =	sadd.s32 $0x8F2B, s0  }
0xbe: {  	[sflag:s0] =	ssyncadd.remote.s32 $0x1  }
0xbf: {  	_ =	sfence.sel $0xFFFF  }
0xc0: {  	[dreg:$0x0] =	wrdreg $0xFFFFFFFF;
	(pc) =	sbr.abs _section_cstart, $3  }
0xc1: {  	[dreg:$0x1] =	wrdreg $0xFFFFFFFF  }
0xc2: {  	_ =	task.clear_ibuf [dreg:s7], $0x2FFFF;
	_ =	strace $0x9FFFFFFF  }
0xc3: {  	(tm) =	ssettm $0x7FFFFFFF  }
tec
execute0_lowered:
.L_overlay_start_1:
0x0: {  	(tag) =	ssettag $0x1  }
0x1: {  	s5 =	rddreg [dreg:$0x0]  }
0x2: {  	s0 =	srdreg.scid;
	s2 =	rddreg [dreg:$0x1]  }
0x3: {  	s3 =	rddreg [dreg:$0x2];
	s1 =	stileid.u32  }
0x4: {  	s4 =	simm.s32 $0x0;
	s16 =	simm.s32 $0x2800;
	s17 =	simm.s32 $0x5000  }
0x5: {  	s18 =	simm.s32 $0x80;
	s6 =	sand.u32 $0x1, s0;
	s0 =	rddreg [dreg:$0x3]  }
0x6: {  	s22 =	simm.s32 $0x0;
	[smem:$0x7FF] =	sst s4;
	s8 =	smul.u32 $0x50000, s1  }
0x7: {  	s12 =	sadd.s32 $0x15200, s5;
	s11 =	smul.u32 $0x14000, s1;
	s19 =	sadd.s32 $0x12C000, s3  }
0x8: {  	p0 =	seq.s32 s1, $0xF;
	s7 =	sshll.u32 s6, $0x4;
	_ =	strace $0x80000050  }
0x9: {  	s31 =	ssub.s32 $0x2, s6;
	s10 =	smul.u32 $0x138800, s6;
	s19 =	sshrl.u32 @p0 s19, $0x3  }
0xa: {  	s20 =	sshll.u32 @!p0 s1, $0x6;
	s7 =	sor.u32 s1, s7;
	s9 =	sshrl.u32 s31, $0x1  }
0xb: {  	s8 =	sshrl.u32 s8, $0x2;
	s20 =	sor.u32 @!p0 $0x1C01, s20;
	s7 =	smul.u32 $0x500, s7  }
0xc: {  	s14 =	ssub.s32 s31, s9;
	s11 =	sadd.s32 s11, s10;
	s13 =	sshrl.u32 s10, $0x3  }
0xd: {  	s15 =	sshrl.u32 s11, $0x3;
	s13 =	sadd.s32 s12, s13;
	s14 =	smax.u32 s14, $0x1  }
0xe: {  	s7 =	sadd.s32 s7, s5;
	s5 =	sadd.s32 s8, s3;
	s12 =	sadd.s32 s12, s15  }
0xf: {  	s13 =	sadd.s32 $0x25800, s13;
	s15 =	simm.s32 $0x1;
	s6 =	sadd.s32 $0xB200, s7  }
0x10: {  	s7 =	sadd.s32 $0x1200, s7;
	s8 =	sadd.s32 $0x4000, s5;
	s9 =	sadd.s32 $0x8000, s5  }
0x11: {  	v0 =	vimm.f32 $0.0e+00;
	s10 =	sadd.s32 $0xC000, s5;
	s11 =	sadd.s32 $0x10000, s5;
	s21 =	sshrl.u32 @!p0 s5, $0x3  }
.LBB2_1:
0x12: {  	[tilespmem:s4], [sflag:$0x1] =	stream.linear.gather [hbm4b:s6+s4], $0x2780, $0x38;
	[tilespmem:$0x1D000] =	vst v63  }
0x13: {  	_ =	swait.ge [sflag:s15], $0x2780  }
0x14: {  	[sflag:s15] =	ssyncset.done $0x0  }
0x15: {  	[sflag:s15] =	ssyncadd.s32 $0xFFFFD880  }
0x16: {  	[tilespmem:s16], [sflag:$0x1] =	stream.linear.gather [hbm4b:s7+s4], $0x2780, $0x38;
	[tilespmem:$0x1D000] =	vst v63  }
0x17: {  	s23 =	sand.u32 $0xFE00, s4;
	s24 =	sand.u32 $0x70, s4;
	_ =	swait.ge [sflag:s15], $0x2780  }
0x18: {  	s25 =	sshrl.u32 s23, $0x2;
	s23 =	simm.s32 $0x40;
	[sflag:s15] =	ssyncset.done $0x0  }
0x19: {  	s25 =	sor.u32 s24, s25;
	s24 =	simm.s32 $0x0;
	[sflag:s15] =	ssyncadd.s32 $0xFFFFD880  }
.LBB2_2:
0x1a: {  	p1 =	sne.s32 s23, $0xFFC0  }
0x1b: {  	[tilespmem:s25+$0x5000] =	vst v0;
	s24 =	sadd.s32 $0x10, s24;
	s25 =	smov.u32 s23;
	s23 =	sadd.s32 $0x40, s23  }
.Ltmp0:
0x1c: {  	(pc) =	sbr.rel @p1 .LBB2_2-.Ltmp0, $4  }
0x1d: {  	_ = 	snop  }
0x1e: {  	s25 =	sand.u32 $0xFE00, s25  }
0x1f: {  	s26 =	sand.u32 $0x70, s24;
	s25 =	sshrl.u32 s25, $0x2  }
0x20: {  	s25 =	sor.u32 s26, s25  }
0x21: {  	[tilespmem:s25+$0x5000] =	vst v0  }
0x22: {  	[spmem:s5] =	stream.linear.scatter [tilespmem:s17], [sflag:$0x1], $0x4000, $0x38;
	[tilespmem:$0x1D000] =	vst v63  }
0x23: {  	_ =	swait.ge [sflag:s15], $0x4000  }
0x24: {  	[sflag:s15] =	ssyncset.done $0x0  }
0x25: {  	[sflag:s15] =	ssyncadd.s32 $0xFFFFC000  }
0x26: {  	[spmem:s8] =	stream.linear.scatter [tilespmem:s17], [sflag:$0x1], $0x4000, $0x38;
	[tilespmem:$0x1D000] =	vst v63  }
0x27: {  	_ =	swait.ge [sflag:s15], $0x4000  }
0x28: {  	[sflag:s15] =	ssyncset.done $0x0  }
0x29: {  	[sflag:s15] =	ssyncadd.s32 $0xFFFFC000  }
0x2a: {  	[spmem:s9] =	stream.linear.scatter [tilespmem:s17], [sflag:$0x1], $0x4000, $0x38;
	[tilespmem:$0x1D000] =	vst v63  }
0x2b: {  	_ =	swait.ge [sflag:s15], $0x4000  }
0x2c: {  	[sflag:s15] =	ssyncset.done $0x0  }
0x2d: {  	[sflag:s15] =	ssyncadd.s32 $0xFFFFC000  }
0x2e: {  	[spmem:s10] =	stream.linear.scatter [tilespmem:s17], [sflag:$0x1], $0x4000, $0x38;
	[tilespmem:$0x1D000] =	vst v63  }
0x2f: {  	_ =	swait.ge [sflag:s15], $0x4000  }
0x30: {  	[sflag:s15] =	ssyncset.done $0x0  }
0x31: {  	[sflag:s15] =	ssyncadd.s32 $0xFFFFC000  }
0x32: {  	[spmem:s11] =	stream.linear.scatter [tilespmem:s17], [sflag:$0x1], $0x4000, $0x38;
	[tilespmem:$0x1D000] =	vst v63  }
0x33: {  	_ =	swait.ge [sflag:s15], $0x4000  }
0x34: {  	[sflag:s15] =	ssyncset.done $0x0  }
0x35: {  	[sflag:s15] =	ssyncadd.s32 $0xFFFFC000  }
0x36: {  	s23 =	simm.s32 $0x0;
	[bflag:$0x0] =	sbarrier.arrive $0xFFFF  }
0x37: {  	[tilespmem:s17], [sflag:$0x1] =	stream.indirect.gather [hbm4b:s2+s18], $0x80, s23, s18, $0xb8;
	[tilespmem:$0x1D000] =	vst v63  }
0x38: {  	_ =	swait.ge [sflag:s15], $0x4000  }
0x39: {  	[sflag:s15] =	ssyncset.done $0x0  }
0x3a: {  	s31 =	simm.s32 $0x2800;
	[sflag:s15] =	ssyncadd.s32 $0xFFFFC000  }
0x3b: {  	[spmem:s3] =	stream.indirect.scatter.add.f32 [tilespmem:s17], [sflag:$0x1], $0x80, s31, s18, $0xb8;
	[tilespmem:$0x1D000] =	vst v63  }
0x3c: {  	_ =	swait.ge [sflag:s15], $0x4000  }
0x3d: {  	s24 =	simm.s32 $0x400;
	s23 =	simm.s32 $0x200;
	[sflag:s15] =	ssyncset.done $0x0  }
.LBB2_4:
0x3e: {  	s25 =	sshra.s32 s23, $0x2  }
0x3f: {  	[sflag:s15] =	ssyncadd.s32 $0xFFFFC000;
	s23 =	smov.u32 s24;
	s26 =	sadd.s32 $0x200, s24  }
0x40: {  	[tilespmem:s17], [sflag:$0x1] =	stream.indirect.gather [hbm4b:s2+s18], $0x80, s25, s18, $0xb8;
	[tilespmem:$0x1D000] =	vst v63  }
0x41: {  	p1 =	sne.s32 s24, $0x9C00;
	_ =	swait.ge [sflag:s15], $0x4000  }
.Ltmp1:
0x42: {  	[sflag:s15] =	ssyncset.done $0x0;
	(pc) =	sbr.rel @p1 .LBB2_4-.Ltmp1, $4  }
0x43: {  	s24 =	sadd.s32 $0x2800, s25;
	[sflag:s15] =	ssyncadd.s32 $0xFFFFC000  }
0x44: {  	[spmem:s3] =	stream.indirect.scatter.add.f32 [tilespmem:s17], [sflag:$0x1], $0x80, s24, s18, $0xb8;
	[tilespmem:$0x1D000] =	vst v63  }
0x45: {  	_ =	swait.ge [sflag:s15], $0x4000  }
0x46: {  	s24 =	smov.u32 s26;
	[sflag:s15] =	ssyncset.done $0x0  }
0x47: {  	s23 =	sshra.s32 s23, $0x2;
	[sflag:s15] =	ssyncadd.s32 $0xFFFFC000  }
0x48: {  	[tilespmem:s17], [sflag:$0x1] =	stream.indirect.gather [hbm4b:s2+s18], $0x80, s23, s18, $0xb8;
	[tilespmem:$0x1D000] =	vst v63  }
0x49: {  	_ =	swait.ge [sflag:s15], $0x4000  }
0x4a: {  	[sflag:s15] =	ssyncset.done $0x0  }
0x4b: {  	s23 =	sadd.s32 $0x2800, s23;
	[sflag:s15] =	ssyncadd.s32 $0xFFFFC000  }
0x4c: {  	[spmem:s3] =	stream.indirect.scatter.add.f32 [tilespmem:s17], [sflag:$0x1], $0x80, s23, s18, $0xb8;
	[tilespmem:$0x1D000] =	vst v63  }
0x4d: {  	_ =	swait.ge [sflag:s15], $0x4000  }
0x4e: {  	[sflag:s15] =	ssyncset.done $0x0  }
0x4f: {  	[sflag:s15] =	ssyncadd.s32 $0xFFFFC000  }
0x50: {  	s23 =	simm.s32 @p0 $0x1FC1;
	[bflag:$0x0] =	sbarrier.arrive $0xFFFF  }
0x51: {  	[hbm:s13], [sflag:s23] =	dma.local @p0 [spmem:s19], $0x1900  }
0x52: {  	s23 =	simm.s32 @p0 $0x1  }
0x53: {  	s22 =	sadd.s32 $0x1, s22;
	_ =	swait.ge @p0 [sflag:s23], $0x1900  }
0x54: {  	p1 =	sne.s32 s22, s14;
	[sflag:s23] =	ssyncset.done @p0 $0x0  }
.Ltmp2:
0x55: {  	[sflag:s23] =	ssyncadd.s32 @p0 $0xFFFFE700;
	s23 =	simm.s32 @!p0 $0x1;
	(pc) =	sbr.rel @p1 .LBB2_1-.Ltmp2, $4  }
0x56: {  	[hbm:s12], [sflag:s20] =	dma.local @!p0 [spmem:s21], $0x2800  }
0x57: {  	_ =	swait.ge @!p0 [sflag:s23], $0x2800  }
0x58: {  	[sflag:s23] =	ssyncset.done @!p0 $0x0  }
0x59: {  	[sflag:s23] =	ssyncadd.s32 @!p0 $0xFFFFD800  }
0x5a: {  	_ =	sfence.sel $0x180000  }
0x5b: {  	[bflag:$0x0] =	sbarrier.arrive $0xFFFF  }
0x5c: {  	p0 =	sne.s32 s1, $0x0;
	_ =	strace $0x90000050  }
0x5d: {  	s0 =	sadd.s32 @!p0 $0x100000, s0;
	[bflag:$0x2] =	sbarrier.arrive $0xFFFF  }
0x5e: {  	[sflag:s0] =	ssyncadd.tile.s32 @!p0 $0x1;
	_ =	shalt  }
.Lfunc_end2:
_tile_overlayer_lowered:
.L_overlay_start_2:
0x5f: {  	(tag) =	ssettag $0x2  }
0x60: {  	s0 =	rddreg [dreg:$0x0];
	s2 =	stileid.u32  }
0x61: {  	s1 =	rddreg [dreg:$0x1];
	p0 =	sne.s32 s2, $0x0  }
0x62: {  	s3 =	rddreg [dreg:$0x2];
	[bflag:$0x3] =	sbarrier.arrive $0xFFFF;
	s2 =	simm.s32 @!p0 $0x1C01  }
0x63: {  	[timem:s3], [sflag:s2] =	dma.local @!p0 [hbm:s0], s1  }
0x64: {  	s0 =	simm.s32 @!p0 $0x1  }
0x65: {  	_ =	swait.ge @!p0 [sflag:s0], s1  }
0x66: {  	s1 =	ssub.s32 @!p0 $0x0, s1;
	[sflag:s0] =	ssyncset.done @!p0 $0x0  }
0x67: {  	[sflag:s0] =	ssyncadd.s32 @!p0 s1  }
0x68: {  	[bflag:$0x3] =	sbarrier.arrive $0xFFFF  }
0x69: {  	_ =	shalt  }

</sc_bundles>
